<compile_context>
chip_gen: v7x
topology: tpu7x:2x2x1
jax: 0.10.2.dev20260603
libtpu: 0.0.44.dev20260713+nightly
codegen_flags: <defaults>
</compile_context>

<pallas_src>
import functools

import jax
import jax.numpy as jnp
from jax import lax
from jax.experimental import pallas as pl
from jax.experimental.pallas import tpu as pltpu
from jax.experimental.pallas import tpu_sc as plsc

B, T, E, K, CN, V = 128, 200, 128, 8, 1000, 100000
BT = B * T
BB = 16
NEG = -2.0**32 + 1.0
HI = lax.Precision.HIGHEST

NC, NS = 2, 16
NW = NC * NS
RPW = BT // NW
CHW = 80
CH = RPW // CHW


def _ln(x, g, b):
    m = jnp.mean(x, axis=-1, keepdims=True)
    v = jnp.mean((x - m) ** 2, axis=-1, keepdims=True)
    return (x - m) / jnp.sqrt(v + 1e-3) * g + b


def _softmax_last(x):
    m = jnp.max(x, axis=-1, keepdims=True)
    e = jnp.exp(x - m)
    return e / jnp.sum(e, axis=-1, keepdims=True)


def _split(a):
    hi = a.astype(jnp.bfloat16)
    lo = (a - hi.astype(jnp.float32)).astype(jnp.bfloat16)
    return hi, lo


def _lhs3(a):
    ah, al = _split(a)
    return jnp.concatenate([ah, al, ah], axis=1)


def _rhs3(b):
    bh, bl = _split(b)
    return jnp.concatenate([bh, bh, bl], axis=0)


def _bdot(a, b, ca, cb):
    return lax.dot_general(a, b, (((ca,), (cb,)), ((0,), (0,))),
                           precision=HI)


def _tc_body(x_ref, pos_ref, idx_ref, val_ref, w9_ref, wk2_ref,
             w4_ref, c_ref, g1_ref, b1_ref, g2_ref, b2_ref,
             g3_ref, b3_ref, g4_ref, b4_ref, out_ref):
    f32 = jnp.float32
    x = x_ref[:] + pos_ref[:][None, :, :]
    xf = x.reshape(BB * T, E)
    iota_c = lax.broadcasted_iota(jnp.int32, (BB, CN), 1)

    lhs = _lhs3(xf)

    t1 = _ln(jnp.dot(lhs, w9_ref[0], preferred_element_type=f32),
             g1_ref[:], b1_ref[:]).reshape(BB, T, E)

    ohs = [(iota_c == idx_ref[:, k:k + 1]).astype(f32) for k in range(K)]
    oh_cat = jnp.concatenate(ohs, axis=0)
    rows = jnp.dot(oh_cat, c_ref[:], precision=HI)
    sig = 1.0 / (1.0 + jnp.exp(-val_ref[:]))
    cu = jnp.concatenate(
        [(rows[k * BB:(k + 1) * BB] * sig[:, k:k + 1])[:, None, :]
         for k in range(K)], axis=1)
    lc = _ln(cu, g2_ref[:], b2_ref[:])

    scores = _bdot(t1, lc, 2, 2)
    p_kt = _softmax_last(scores)

    ptks = []
    for k in range(K):
        hk = jnp.tanh(jnp.dot(lhs, w9_ref[k + 1],
                              preferred_element_type=f32)).reshape(BB, T, E)
        t2k = jnp.sum(hk * wk2_ref[k][None, None, :], axis=-1)
        ptks.append(_softmax_last(t2k)[:, :, None])
    p_tk = jnp.concatenate(ptks, axis=2)
    p = p_kt * p_tk

    ie = _ln(_bdot(p, x, 1, 1), g3_ref[:], b3_ref[:])
    x_hat = _bdot(p_kt, cu, 2, 1)

    t3 = jnp.tanh(jnp.dot(_lhs3(x_hat.reshape(BB * T, E)), w9_ref[0 + 9],
                          preferred_element_type=f32))
    t3 = jnp.sum(t3.reshape(BB, T, E) * w4_ref[:][None, :, :], axis=-1)
    a3 = _softmax_last(t3)
    c_apt = _ln(jnp.sum(x_hat * a3[:, :, None], axis=1), g4_ref[:], b4_ref[:])

    e_u = _softmax_last(_bdot(ie, c_apt, 2, 1) * 10.0)
    out_ref[:] = _bdot(e_u, ie, 1, 1)


def _tc_forward(x, pos, idx, vals, w9, wk2, w4, c, lnp, interpret=False):
    full = lambda *s: pl.BlockSpec(s, lambda i: (0,) * len(s))
    g1, b1, g2, b2, g3, b3, g4, b4 = lnp
    return pl.pallas_call(
        _tc_body,
        grid=(B // BB,),
        in_specs=[
            pl.BlockSpec((BB, T, E), lambda i: (i, 0, 0)),
            full(T, E),
            pl.BlockSpec((BB, K), lambda i: (i, 0)),
            pl.BlockSpec((BB, K), lambda i: (i, 0)),
            full(10, 3 * E, E), full(K, E), full(1, E),
            full(CN, E),
            full(1, E), full(1, E), full(1, E), full(1, E),
            full(1, E), full(1, E), full(1, E), full(1, E),
        ],
        out_specs=pl.BlockSpec((BB, E), lambda i: (i, 0)),
        out_shape=jax.ShapeDtypeStruct((B, E), jnp.float32),
        interpret=interpret,
    )(x, pos, idx, vals, w9, wk2, w4, c, g1, b1, g2, b2, g3, b3, g4, b4)


@functools.cache
def _sc_gather():
    mesh = plsc.VectorSubcoreMesh(core_axis_name="c", subcore_axis_name="s")

    @functools.partial(
        pl.kernel,
        mesh=mesh,
        out_type=jax.ShapeDtypeStruct((BT, E), jnp.float32),
        scratch_types=[
            pltpu.VMEM((CH, CHW), jnp.int32),
            pltpu.VMEM((RPW, E), jnp.float32),
            pltpu.SemaphoreType.DMA,
        ],
    )
    def gather_kernel(table_hbm, idx_hbm, out_hbm, idx_v, rows_v, sem):
        wid = lax.axis_index("s") * NC + lax.axis_index("c")
        pltpu.sync_copy(idx_hbm.at[wid], idx_v)
        copies = [
            pltpu.async_copy(table_hbm.at[idx_v.at[c]],
                             rows_v.at[pl.ds(c * CHW, CHW)], sem)
            for c in range(CH)
        ]
        for cp in copies:
            cp.wait()
        pltpu.sync_copy(rows_v, out_hbm.at[pl.ds(wid * RPW, RPW)])

    return gather_kernel


def _select_concepts(x, mask, W1, W2, C):
    h = jnp.tanh(jnp.einsum('bte,ea->bta', x, W1))
    att = jnp.einsum('bte,e->bt', h, W2)
    att = jnp.where(mask == 0, NEG, att)
    a = jax.nn.softmax(att, axis=-1)
    z_u = jnp.einsum('bte,bt->be', x, a)
    s_u = jnp.einsum('be,ce->bc', z_u, C)
    return jax.lax.top_k(s_u, K)


def kernel(mid_his, mask, emb_table, pos_emb, W1, W2, W3, W4, W_k1, W_k2, C,
           g1, b1, g2, b2, g3, b3, g4, b4):
    idx = mid_his.reshape(NW, CH, CHW)
    rows = _sc_gather()(emb_table, idx)
    x = rows.reshape(B, T, E)
    s_u_k, top_idx = _select_concepts(x + pos_emb, mask, W1, W2, C)
    lnp = tuple(p.reshape(1, E) for p in (g1, b1, g2, b2, g3, b3, g4, b4))
    mats = [W3] + [W_k1[k] for k in range(K)] + [W3]
    w9 = jnp.stack([_rhs3(m) for m in mats], axis=0)
    return _tc_forward(x, pos_emb[0], top_idx, s_u_k, w9, W_k2,
                       W4.reshape(1, E), C, lnp)

# --- scband reference (transcript-rebuilt; emitter-appended) ---
"""Pipeline reference for scband-model-sine-61469571940788 (READ-ONLY COPY).

The authoritative reference and input builder live on the scoring server;
editing this copy changes nothing except your own understanding.
"""

import jax, jax.numpy as jnp
import numpy as np

B, T, E, K, CN, V = 128, 200, 128, 8, 1000, 100000
NEG = -2.0**32 + 1.0

def ln(x, g, b):
    m = jnp.mean(x, axis=-1, keepdims=True)
    v = jnp.var(x, axis=-1, keepdims=True)
    return (x - m) / jnp.sqrt(v + 1e-3) * g + b

def setup_inputs(seed: int = 0):
    key = jax.random.key(seed)
    ks = jax.random.split(key, 12)
    inp = {}
    inp['mid_his'] = jax.random.randint(ks[0], (B, T), 0, V, dtype=jnp.int32)
    inp['mask'] = jnp.ones((B, T), dtype=jnp.float32)
    inp['emb_table'] = jax.random.normal(ks[1], (V, E), jnp.float32) * 0.02
    inp['pos_emb'] = jax.random.normal(ks[2], (1, T, E), jnp.float32) * 0.02
    inp['W1'] = jax.random.normal(ks[3], (E, E), jnp.float32) * 0.05
    inp['W2'] = jax.random.normal(ks[4], (E,), jnp.float32) * 0.05
    inp['W3'] = jax.random.normal(ks[5], (E, E), jnp.float32) * 0.05
    inp['W4'] = jax.random.normal(ks[6], (E,), jnp.float32) * 0.05
    inp['W_k1'] = jax.random.normal(ks[7], (K, E, E), jnp.float32) * 0.05
    inp['W_k2'] = jax.random.normal(ks[8], (K, E), jnp.float32) * 0.05
    inp['C'] = jax.random.normal(ks[9], (CN, E), jnp.float32) * 0.05
    for i in range(1, 5):
        inp['g%d' % i] = jnp.ones((E,), jnp.float32)
        inp['b%d' % i] = jnp.zeros((E,), jnp.float32)
    return inp

def reference(mid_his, mask, emb_table, pos_emb, W1, W2, W3, W4, W_k1, W_k2, C, g1, b1, g2, b2, g3, b3, g4, b4):
    x = jnp.take(emb_table, mid_his, axis=0) + pos_emb
    h = jnp.tanh(jnp.einsum('bte,ea->bta', x, W1))
    att = jnp.einsum('bte,e->bt', h, W2)
    att = jnp.where(mask == 0, NEG, att)
    a = jax.nn.softmax(att, axis=-1)
    z_u = jnp.einsum('bte,bt->be', x, a)
    s_u = jnp.einsum('be,ce->bc', z_u, C)
    s_u_k, idx = jax.lax.top_k(s_u, K)
    c_u = jnp.take(C, idx, axis=0) * jax.nn.sigmoid(s_u_k)[:, :, None]
    t1 = jnp.einsum('bte,ea->bta', x, W3)
    t1 = jnp.einsum('bte,bke->btk', ln(t1, g1, b1), ln(c_u, g2, b2))
    t1 = jnp.where(mask[:, :, None] == 0, NEG, t1)
    P_kt = jnp.transpose(jax.nn.softmax(t1, axis=-1), (0, 2, 1))
    t2 = jnp.tanh(jnp.einsum('bte,kea->bkta', x, W_k1))
    t2 = jnp.einsum('bkte,ke->bkt', t2, W_k2)
    t2 = jnp.where(mask[:, None, :] == 0, NEG, t2)
    P_tk = jax.nn.softmax(t2, axis=-1)
    P = P_kt * P_tk
    interest_emb = ln(jnp.einsum('bte,bkt->bke', x, P), g3, b3)
    P_u = jnp.transpose(P_kt, (0, 2, 1))
    X_hat = jnp.einsum('btk,bke->bte', P_u, c_u)
    t3 = jnp.tanh(jnp.einsum('bte,ea->bta', X_hat, W3))
    t3 = jnp.einsum('bte,e->bt', t3, W4)
    t3 = jax.nn.softmax(jnp.where(mask == 0, NEG, t3), axis=-1)
    c_apt = ln(jnp.einsum('bte,bt->be', X_hat, t3), g4, b4)
    e_u = jax.nn.softmax(jnp.einsum('be,bke->bk', c_apt, interest_emb) / 0.1, axis=-1)
    v_u = jnp.einsum('bke,bk->be', interest_emb, e_u)
    return v_u

if __name__ == "__main__":
    import jax
    _d = setup_inputs()
    print(jax.jit(kernel)(*tuple(_d.values())))

</pallas_src>

<mosaic_0001>
#map = affine_map<(d0, d1) -> (0, 0)>
#map1 = affine_map<(d0, d1) -> (0, 0, 0)>
module attributes {stable_mosaic.version = 14 : i64} {
  func.func @gather_kernel(%arg0: i32, %arg1: i32, %arg2: memref<100000x128xf32, #tpu.memory_space<hbm>>, %arg3: memref<32x10x80xi32, #tpu.memory_space<hbm>>, %arg4: memref<25600x128xf32, #tpu.memory_space<hbm>>, %arg5: memref<10x80xi32, #tpu.memory_space<vmem>>, %arg6: memref<800x128xf32, #tpu.memory_space<vmem>>, %arg7: memref<!tpu.dma_semaphore, #tpu.memory_space<semaphore_mem>>) attributes {dimension_semantics = [#tpu.dimension_semantics<core_parallel>, #tpu.dimension_semantics<subcore_parallel>], iteration_bounds = array<i64: 2, 16>, scalar_prefetch = 0 : i64, scratch_operands = 3 : i64, tpu.core_type = #tpu.core_type<sc_vector_subcore>, window_params = [{transform_indices = #map}, {transform_indices = #map1}, {transform_indices = #map}]} {
    %mul3A = arith.constant 2 : i32
    %mul3A_0 = arith.muli %arg1, %mul3A : i32
    %add3A = arith.addi %mul3A_0, %arg0 : i32
    "tpu.region"() ({
      %run_scoped3A = tpu.sem_alloc : memref<!tpu.dma_semaphore, #tpu.memory_space<semaphore_mem>>
      %dma_start3A_201 = arith.constant 0 : i32
      %dma_start3A_202 = arith.constant 0 : i32
      %dma_start3A_203 = tpu.memref_slice %arg3[%add3A, %dma_start3A_201, %dma_start3A_202] : memref<32x10x80xi32, #tpu.memory_space<hbm>> -> memref<1x10x80xi32, #tpu.memory_space<hbm>>
      %dma_start3A_204 = tpu.memref_squeeze %dma_start3A_203 : memref<1x10x80xi32, #tpu.memory_space<hbm>> -> memref<10x80xi32, #tpu.memory_space<hbm>>
      %dma_start3A_205 = arith.constant 0 : i32
      %dma_start3A_206 = arith.constant 0 : i32
      %dma_start3A_207 = tpu.memref_slice %arg3[%add3A, %dma_start3A_205, %dma_start3A_206] : memref<32x10x80xi32, #tpu.memory_space<hbm>> -> memref<1x10x80xi32, #tpu.memory_space<hbm>>
      %dma_start3A_208 = tpu.memref_squeeze %dma_start3A_207 : memref<1x10x80xi32, #tpu.memory_space<hbm>> -> memref<10x80xi32, #tpu.memory_space<hbm>>
      tpu.enqueue_dma source(%dma_start3A_208 : memref<10x80xi32, #tpu.memory_space<hbm>>) target(%arg5 : memref<10x80xi32, #tpu.memory_space<vmem>>) target_semaphore(%run_scoped3A : memref<!tpu.dma_semaphore, #tpu.memory_space<semaphore_mem>>)
      %dma_wait3A_209 = arith.constant 0 : i32
      %dma_wait3A_210 = arith.constant 0 : i32
      %dma_wait3A_211 = tpu.memref_slice %arg3[%add3A, %dma_wait3A_209, %dma_wait3A_210] : memref<32x10x80xi32, #tpu.memory_space<hbm>> -> memref<1x10x80xi32, #tpu.memory_space<hbm>>
      %dma_wait3A_212 = tpu.memref_squeeze %dma_wait3A_211 : memref<1x10x80xi32, #tpu.memory_space<hbm>> -> memref<10x80xi32, #tpu.memory_space<hbm>>
      %dma_wait3A_213 = arith.constant 0 : i32
      %dma_wait3A_214 = arith.constant 0 : i32
      %dma_wait3A_215 = tpu.memref_slice %arg3[%add3A, %dma_wait3A_213, %dma_wait3A_214] : memref<32x10x80xi32, #tpu.memory_space<hbm>> -> memref<1x10x80xi32, #tpu.memory_space<hbm>>
      %dma_wait3A_216 = tpu.memref_squeeze %dma_wait3A_215 : memref<1x10x80xi32, #tpu.memory_space<hbm>> -> memref<10x80xi32, #tpu.memory_space<hbm>>
      tpu.wait_dma2 semaphore(%run_scoped3A : memref<!tpu.dma_semaphore, #tpu.memory_space<semaphore_mem>>) src(%dma_wait3A_216 : memref<10x80xi32, #tpu.memory_space<hbm>>) dst(%arg5 : memref<10x80xi32, #tpu.memory_space<vmem>>)
      tpu.yield
    }) : () -> ()
    %dma_start3A = arith.constant 0 : i32
    %dma_start3A_1 = arith.constant 0 : i32
    %dma_start3A_2 = arith.constant 0 : i32
    %dma_start3A_3 = tpu.memref_slice %arg6[%dma_start3A_1, %dma_start3A_2] : memref<800x128xf32, #tpu.memory_space<vmem>> -> memref<80x128xf32, #tpu.memory_space<vmem>>
    %dma_start3A_4 = arith.constant 0 : i32
    %dma_start3A_5 = tpu.memref_slice %arg5[%dma_start3A, %dma_start3A_4] : memref<10x80xi32, #tpu.memory_space<vmem>> -> memref<1x80xi32, #tpu.memory_space<vmem>>
    %dma_start3A_6 = tpu.memref_squeeze %dma_start3A_5 : memref<1x80xi32, #tpu.memory_space<vmem>> -> memref<80xi32, #tpu.memory_space<vmem>>
    %dma_start3A_7 = arith.constant 0 : i32
    %dma_start3A_8 = arith.constant 0 : i32
    %dma_start3A_9 = tpu.memref_slice %arg2[%dma_start3A_7, %dma_start3A_8] : memref<100000x128xf32, #tpu.memory_space<hbm>> -> memref<100000x128xf32, #tpu.memory_space<hbm>>
    tpu.enqueue_indirect_dma source(%dma_start3A_9 : memref<100000x128xf32, #tpu.memory_space<hbm>>) target(%dma_start3A_3 : memref<80x128xf32, #tpu.memory_space<vmem>>) offsets(%dma_start3A_6 : memref<80xi32, #tpu.memory_space<vmem>>) semaphore(%arg7 : memref<!tpu.dma_semaphore, #tpu.memory_space<semaphore_mem>>)
    %dma_start3A_10 = arith.constant 1 : i32
    %dma_start3A_11 = arith.constant 80 : i32
    %dma_start3A_12 = arith.constant 0 : i32
    %dma_start3A_13 = tpu.memref_slice %arg6[%dma_start3A_11, %dma_start3A_12] : memref<800x128xf32, #tpu.memory_space<vmem>> -> memref<80x128xf32, #tpu.memory_space<vmem>>
    %dma_start3A_14 = arith.constant 0 : i32
    %dma_start3A_15 = tpu.memref_slice %arg5[%dma_start3A_10, %dma_start3A_14] : memref<10x80xi32, #tpu.memory_space<vmem>> -> memref<1x80xi32, #tpu.memory_space<vmem>>
    %dma_start3A_16 = tpu.memref_squeeze %dma_start3A_15 : memref<1x80xi32, #tpu.memory_space<vmem>> -> memref<80xi32, #tpu.memory_space<vmem>>
    %dma_start3A_17 = arith.constant 0 : i32
    %dma_start3A_18 = arith.constant 0 : i32
    %dma_start3A_19 = tpu.memref_slice %arg2[%dma_start3A_17, %dma_start3A_18] : memref<100000x128xf32, #tpu.memory_space<hbm>> -> memref<100000x128xf32, #tpu.memory_space<hbm>>
    tpu.enqueue_indirect_dma source(%dma_start3A_19 : memref<100000x128xf32, #tpu.memory_space<hbm>>) target(%dma_start3A_13 : memref<80x128xf32, #tpu.memory_space<vmem>>) offsets(%dma_start3A_16 : memref<80xi32, #tpu.memory_space<vmem>>) semaphore(%arg7 : memref<!tpu.dma_semaphore, #tpu.memory_space<semaphore_mem>>)
    %dma_start3A_20 = arith.constant 2 : i32
    %dma_start3A_21 = arith.constant 160 : i32
    %dma_start3A_22 = arith.constant 0 : i32
    %dma_start3A_23 = tpu.memref_slice %arg6[%dma_start3A_21, %dma_start3A_22] : memref<800x128xf32, #tpu.memory_space<vmem>> -> memref<80x128xf32, #tpu.memory_space<vmem>>
    %dma_start3A_24 = arith.constant 0 : i32
    %dma_start3A_25 = tpu.memref_slice %arg5[%dma_start3A_20, %dma_start3A_24] : memref<10x80xi32, #tpu.memory_space<vmem>> -> memref<1x80xi32, #tpu.memory_space<vmem>>
    %dma_start3A_26 = tpu.memref_squeeze %dma_start3A_25 : memref<1x80xi32, #tpu.memory_space<vmem>> -> memref<80xi32, #tpu.memory_space<vmem>>
    %dma_start3A_27 = arith.constant 0 : i32
    %dma_start3A_28 = arith.constant 0 : i32
    %dma_start3A_29 = tpu.memref_slice %arg2[%dma_start3A_27, %dma_start3A_28] : memref<100000x128xf32, #tpu.memory_space<hbm>> -> memref<100000x128xf32, #tpu.memory_space<hbm>>
    tpu.enqueue_indirect_dma source(%dma_start3A_29 : memref<100000x128xf32, #tpu.memory_space<hbm>>) target(%dma_start3A_23 : memref<80x128xf32, #tpu.memory_space<vmem>>) offsets(%dma_start3A_26 : memref<80xi32, #tpu.memory_space<vmem>>) semaphore(%arg7 : memref<!tpu.dma_semaphore, #tpu.memory_space<semaphore_mem>>)
    %dma_start3A_30 = arith.constant 3 : i32
    %dma_start3A_31 = arith.constant 240 : i32
    %dma_start3A_32 = arith.constant 0 : i32
    %dma_start3A_33 = tpu.memref_slice %arg6[%dma_start3A_31, %dma_start3A_32] : memref<800x128xf32, #tpu.memory_space<vmem>> -> memref<80x128xf32, #tpu.memory_space<vmem>>
    %dma_start3A_34 = arith.constant 0 : i32
    %dma_start3A_35 = tpu.memref_slice %arg5[%dma_start3A_30, %dma_start3A_34] : memref<10x80xi32, #tpu.memory_space<vmem>> -> memref<1x80xi32, #tpu.memory_space<vmem>>
    %dma_start3A_36 = tpu.memref_squeeze %dma_start3A_35 : memref<1x80xi32, #tpu.memory_space<vmem>> -> memref<80xi32, #tpu.memory_space<vmem>>
    %dma_start3A_37 = arith.constant 0 : i32
    %dma_start3A_38 = arith.constant 0 : i32
    %dma_start3A_39 = tpu.memref_slice %arg2[%dma_start3A_37, %dma_start3A_38] : memref<100000x128xf32, #tpu.memory_space<hbm>> -> memref<100000x128xf32, #tpu.memory_space<hbm>>
    tpu.enqueue_indirect_dma source(%dma_start3A_39 : memref<100000x128xf32, #tpu.memory_space<hbm>>) target(%dma_start3A_33 : memref<80x128xf32, #tpu.memory_space<vmem>>) offsets(%dma_start3A_36 : memref<80xi32, #tpu.memory_space<vmem>>) semaphore(%arg7 : memref<!tpu.dma_semaphore, #tpu.memory_space<semaphore_mem>>)
    %dma_start3A_40 = arith.constant 4 : i32
    %dma_start3A_41 = arith.constant 320 : i32
    %dma_start3A_42 = arith.constant 0 : i32
    %dma_start3A_43 = tpu.memref_slice %arg6[%dma_start3A_41, %dma_start3A_42] : memref<800x128xf32, #tpu.memory_space<vmem>> -> memref<80x128xf32, #tpu.memory_space<vmem>>
    %dma_start3A_44 = arith.constant 0 : i32
    %dma_start3A_45 = tpu.memref_slice %arg5[%dma_start3A_40, %dma_start3A_44] : memref<10x80xi32, #tpu.memory_space<vmem>> -> memref<1x80xi32, #tpu.memory_space<vmem>>
    %dma_start3A_46 = tpu.memref_squeeze %dma_start3A_45 : memref<1x80xi32, #tpu.memory_space<vmem>> -> memref<80xi32, #tpu.memory_space<vmem>>
    %dma_start3A_47 = arith.constant 0 : i32
    %dma_start3A_48 = arith.constant 0 : i32
    %dma_start3A_49 = tpu.memref_slice %arg2[%dma_start3A_47, %dma_start3A_48] : memref<100000x128xf32, #tpu.memory_space<hbm>> -> memref<100000x128xf32, #tpu.memory_space<hbm>>
    tpu.enqueue_indirect_dma source(%dma_start3A_49 : memref<100000x128xf32, #tpu.memory_space<hbm>>) target(%dma_start3A_43 : memref<80x128xf32, #tpu.memory_space<vmem>>) offsets(%dma_start3A_46 : memref<80xi32, #tpu.memory_space<vmem>>) semaphore(%arg7 : memref<!tpu.dma_semaphore, #tpu.memory_space<semaphore_mem>>)
    %dma_start3A_50 = arith.constant 5 : i32
    %dma_start3A_51 = arith.constant 400 : i32
    %dma_start3A_52 = arith.constant 0 : i32
    %dma_start3A_53 = tpu.memref_slice %arg6[%dma_start3A_51, %dma_start3A_52] : memref<800x128xf32, #tpu.memory_space<vmem>> -> memref<80x128xf32, #tpu.memory_space<vmem>>
    %dma_start3A_54 = arith.constant 0 : i32
    %dma_start3A_55 = tpu.memref_slice %arg5[%dma_start3A_50, %dma_start3A_54] : memref<10x80xi32, #tpu.memory_space<vmem>> -> memref<1x80xi32, #tpu.memory_space<vmem>>
    %dma_start3A_56 = tpu.memref_squeeze %dma_start3A_55 : memref<1x80xi32, #tpu.memory_space<vmem>> -> memref<80xi32, #tpu.memory_space<vmem>>
    %dma_start3A_57 = arith.constant 0 : i32
    %dma_start3A_58 = arith.constant 0 : i32
    %dma_start3A_59 = tpu.memref_slice %arg2[%dma_start3A_57, %dma_start3A_58] : memref<100000x128xf32, #tpu.memory_space<hbm>> -> memref<100000x128xf32, #tpu.memory_space<hbm>>
    tpu.enqueue_indirect_dma source(%dma_start3A_59 : memref<100000x128xf32, #tpu.memory_space<hbm>>) target(%dma_start3A_53 : memref<80x128xf32, #tpu.memory_space<vmem>>) offsets(%dma_start3A_56 : memref<80xi32, #tpu.memory_space<vmem>>) semaphore(%arg7 : memref<!tpu.dma_semaphore, #tpu.memory_space<semaphore_mem>>)
    %dma_start3A_60 = arith.constant 6 : i32
    %dma_start3A_61 = arith.constant 480 : i32
    %dma_start3A_62 = arith.constant 0 : i32
    %dma_start3A_63 = tpu.memref_slice %arg6[%dma_start3A_61, %dma_start3A_62] : memref<800x128xf32, #tpu.memory_space<vmem>> -> memref<80x128xf32, #tpu.memory_space<vmem>>
    %dma_start3A_64 = arith.constant 0 : i32
    %dma_start3A_65 = tpu.memref_slice %arg5[%dma_start3A_60, %dma_start3A_64] : memref<10x80xi32, #tpu.memory_space<vmem>> -> memref<1x80xi32, #tpu.memory_space<vmem>>
    %dma_start3A_66 = tpu.memref_squeeze %dma_start3A_65 : memref<1x80xi32, #tpu.memory_space<vmem>> -> memref<80xi32, #tpu.memory_space<vmem>>
    %dma_start3A_67 = arith.constant 0 : i32
    %dma_start3A_68 = arith.constant 0 : i32
    %dma_start3A_69 = tpu.memref_slice %arg2[%dma_start3A_67, %dma_start3A_68] : memref<100000x128xf32, #tpu.memory_space<hbm>> -> memref<100000x128xf32, #tpu.memory_space<hbm>>
    tpu.enqueue_indirect_dma source(%dma_start3A_69 : memref<100000x128xf32, #tpu.memory_space<hbm>>) target(%dma_start3A_63 : memref<80x128xf32, #tpu.memory_space<vmem>>) offsets(%dma_start3A_66 : memref<80xi32, #tpu.memory_space<vmem>>) semaphore(%arg7 : memref<!tpu.dma_semaphore, #tpu.memory_space<semaphore_mem>>)
    %dma_start3A_70 = arith.constant 7 : i32
    %dma_start3A_71 = arith.constant 560 : i32
    %dma_start3A_72 = arith.constant 0 : i32
    %dma_start3A_73 = tpu.memref_slice %arg6[%dma_start3A_71, %dma_start3A_72] : memref<800x128xf32, #tpu.memory_space<vmem>> -> memref<80x128xf32, #tpu.memory_space<vmem>>
    %dma_start3A_74 = arith.constant 0 : i32
    %dma_start3A_75 = tpu.memref_slice %arg5[%dma_start3A_70, %dma_start3A_74] : memref<10x80xi32, #tpu.memory_space<vmem>> -> memref<1x80xi32, #tpu.memory_space<vmem>>
    %dma_start3A_76 = tpu.memref_squeeze %dma_start3A_75 : memref<1x80xi32, #tpu.memory_space<vmem>> -> memref<80xi32, #tpu.memory_space<vmem>>
    %dma_start3A_77 = arith.constant 0 : i32
    %dma_start3A_78 = arith.constant 0 : i32
    %dma_start3A_79 = tpu.memref_slice %arg2[%dma_start3A_77, %dma_start3A_78] : memref<100000x128xf32, #tpu.memory_space<hbm>> -> memref<100000x128xf32, #tpu.memory_space<hbm>>
    tpu.enqueue_indirect_dma source(%dma_start3A_79 : memref<100000x128xf32, #tpu.memory_space<hbm>>) target(%dma_start3A_73 : memref<80x128xf32, #tpu.memory_space<vmem>>) offsets(%dma_start3A_76 : memref<80xi32, #tpu.memory_space<vmem>>) semaphore(%arg7 : memref<!tpu.dma_semaphore, #tpu.memory_space<semaphore_mem>>)
    %dma_start3A_80 = arith.constant 8 : i32
    %dma_start3A_81 = arith.constant 640 : i32
    %dma_start3A_82 = arith.constant 0 : i32
    %dma_start3A_83 = tpu.memref_slice %arg6[%dma_start3A_81, %dma_start3A_82] : memref<800x128xf32, #tpu.memory_space<vmem>> -> memref<80x128xf32, #tpu.memory_space<vmem>>
    %dma_start3A_84 = arith.constant 0 : i32
    %dma_start3A_85 = tpu.memref_slice %arg5[%dma_start3A_80, %dma_start3A_84] : memref<10x80xi32, #tpu.memory_space<vmem>> -> memref<1x80xi32, #tpu.memory_space<vmem>>
    %dma_start3A_86 = tpu.memref_squeeze %dma_start3A_85 : memref<1x80xi32, #tpu.memory_space<vmem>> -> memref<80xi32, #tpu.memory_space<vmem>>
    %dma_start3A_87 = arith.constant 0 : i32
    %dma_start3A_88 = arith.constant 0 : i32
    %dma_start3A_89 = tpu.memref_slice %arg2[%dma_start3A_87, %dma_start3A_88] : memref<100000x128xf32, #tpu.memory_space<hbm>> -> memref<100000x128xf32, #tpu.memory_space<hbm>>
    tpu.enqueue_indirect_dma source(%dma_start3A_89 : memref<100000x128xf32, #tpu.memory_space<hbm>>) target(%dma_start3A_83 : memref<80x128xf32, #tpu.memory_space<vmem>>) offsets(%dma_start3A_86 : memref<80xi32, #tpu.memory_space<vmem>>) semaphore(%arg7 : memref<!tpu.dma_semaphore, #tpu.memory_space<semaphore_mem>>)
    %dma_start3A_90 = arith.constant 9 : i32
    %dma_start3A_91 = arith.constant 720 : i32
    %dma_start3A_92 = arith.constant 0 : i32
    %dma_start3A_93 = tpu.memref_slice %arg6[%dma_start3A_91, %dma_start3A_92] : memref<800x128xf32, #tpu.memory_space<vmem>> -> memref<80x128xf32, #tpu.memory_space<vmem>>
    %dma_start3A_94 = arith.constant 0 : i32
    %dma_start3A_95 = tpu.memref_slice %arg5[%dma_start3A_90, %dma_start3A_94] : memref<10x80xi32, #tpu.memory_space<vmem>> -> memref<1x80xi32, #tpu.memory_space<vmem>>
    %dma_start3A_96 = tpu.memref_squeeze %dma_start3A_95 : memref<1x80xi32, #tpu.memory_space<vmem>> -> memref<80xi32, #tpu.memory_space<vmem>>
    %dma_start3A_97 = arith.constant 0 : i32
    %dma_start3A_98 = arith.constant 0 : i32
    %dma_start3A_99 = tpu.memref_slice %arg2[%dma_start3A_97, %dma_start3A_98] : memref<100000x128xf32, #tpu.memory_space<hbm>> -> memref<100000x128xf32, #tpu.memory_space<hbm>>
    tpu.enqueue_indirect_dma source(%dma_start3A_99 : memref<100000x128xf32, #tpu.memory_space<hbm>>) target(%dma_start3A_93 : memref<80x128xf32, #tpu.memory_space<vmem>>) offsets(%dma_start3A_96 : memref<80xi32, #tpu.memory_space<vmem>>) semaphore(%arg7 : memref<!tpu.dma_semaphore, #tpu.memory_space<semaphore_mem>>)
    %dma_wait3A = arith.constant 0 : i32
    %dma_wait3A_100 = arith.constant 0 : i32
    %dma_wait3A_101 = arith.constant 0 : i32
    %dma_wait3A_102 = tpu.memref_slice %arg6[%dma_wait3A_100, %dma_wait3A_101] : memref<800x128xf32, #tpu.memory_space<vmem>> -> memref<80x128xf32, #tpu.memory_space<vmem>>
    %dma_wait3A_103 = arith.constant 0 : i32
    %dma_wait3A_104 = tpu.memref_slice %arg5[%dma_wait3A, %dma_wait3A_103] : memref<10x80xi32, #tpu.memory_space<vmem>> -> memref<1x80xi32, #tpu.memory_space<vmem>>
    %dma_wait3A_105 = tpu.memref_squeeze %dma_wait3A_104 : memref<1x80xi32, #tpu.memory_space<vmem>> -> memref<80xi32, #tpu.memory_space<vmem>>
    %dma_wait3A_106 = arith.constant 0 : i32
    %dma_wait3A_107 = arith.constant 0 : i32
    %dma_wait3A_108 = tpu.memref_slice %arg2[%dma_wait3A_106, %dma_wait3A_107] : memref<100000x128xf32, #tpu.memory_space<hbm>> -> memref<100000x128xf32, #tpu.memory_space<hbm>>
    tpu.wait_indirect_dma semaphore(%arg7 : memref<!tpu.dma_semaphore, #tpu.memory_space<semaphore_mem>>) src(%dma_wait3A_108 : memref<100000x128xf32, #tpu.memory_space<hbm>>) dst(%dma_wait3A_102 : memref<80x128xf32, #tpu.memory_space<vmem>>)
    %dma_wait3A_109 = arith.constant 1 : i32
    %dma_wait3A_110 = arith.constant 80 : i32
    %dma_wait3A_111 = arith.constant 0 : i32
    %dma_wait3A_112 = tpu.memref_slice %arg6[%dma_wait3A_110, %dma_wait3A_111] : memref<800x128xf32, #tpu.memory_space<vmem>> -> memref<80x128xf32, #tpu.memory_space<vmem>>
    %dma_wait3A_113 = arith.constant 0 : i32
    %dma_wait3A_114 = tpu.memref_slice %arg5[%dma_wait3A_109, %dma_wait3A_113] : memref<10x80xi32, #tpu.memory_space<vmem>> -> memref<1x80xi32, #tpu.memory_space<vmem>>
    %dma_wait3A_115 = tpu.memref_squeeze %dma_wait3A_114 : memref<1x80xi32, #tpu.memory_space<vmem>> -> memref<80xi32, #tpu.memory_space<vmem>>
    %dma_wait3A_116 = arith.constant 0 : i32
    %dma_wait3A_117 = arith.constant 0 : i32
    %dma_wait3A_118 = tpu.memref_slice %arg2[%dma_wait3A_116, %dma_wait3A_117] : memref<100000x128xf32, #tpu.memory_space<hbm>> -> memref<100000x128xf32, #tpu.memory_space<hbm>>
    tpu.wait_indirect_dma semaphore(%arg7 : memref<!tpu.dma_semaphore, #tpu.memory_space<semaphore_mem>>) src(%dma_wait3A_118 : memref<100000x128xf32, #tpu.memory_space<hbm>>) dst(%dma_wait3A_112 : memref<80x128xf32, #tpu.memory_space<vmem>>)
    %dma_wait3A_119 = arith.constant 2 : i32
    %dma_wait3A_120 = arith.constant 160 : i32
    %dma_wait3A_121 = arith.constant 0 : i32
    %dma_wait3A_122 = tpu.memref_slice %arg6[%dma_wait3A_120, %dma_wait3A_121] : memref<800x128xf32, #tpu.memory_space<vmem>> -> memref<80x128xf32, #tpu.memory_space<vmem>>
    %dma_wait3A_123 = arith.constant 0 : i32
    %dma_wait3A_124 = tpu.memref_slice %arg5[%dma_wait3A_119, %dma_wait3A_123] : memref<10x80xi32, #tpu.memory_space<vmem>> -> memref<1x80xi32, #tpu.memory_space<vmem>>
    %dma_wait3A_125 = tpu.memref_squeeze %dma_wait3A_124 : memref<1x80xi32, #tpu.memory_space<vmem>> -> memref<80xi32, #tpu.memory_space<vmem>>
    %dma_wait3A_126 = arith.constant 0 : i32
    %dma_wait3A_127 = arith.constant 0 : i32
    %dma_wait3A_128 = tpu.memref_slice %arg2[%dma_wait3A_126, %dma_wait3A_127] : memref<100000x128xf32, #tpu.memory_space<hbm>> -> memref<100000x128xf32, #tpu.memory_space<hbm>>
    tpu.wait_indirect_dma semaphore(%arg7 : memref<!tpu.dma_semaphore, #tpu.memory_space<semaphore_mem>>) src(%dma_wait3A_128 : memref<100000x128xf32, #tpu.memory_space<hbm>>) dst(%dma_wait3A_122 : memref<80x128xf32, #tpu.memory_space<vmem>>)
    %dma_wait3A_129 = arith.constant 3 : i32
    %dma_wait3A_130 = arith.constant 240 : i32
    %dma_wait3A_131 = arith.constant 0 : i32
    %dma_wait3A_132 = tpu.memref_slice %arg6[%dma_wait3A_130, %dma_wait3A_131] : memref<800x128xf32, #tpu.memory_space<vmem>> -> memref<80x128xf32, #tpu.memory_space<vmem>>
    %dma_wait3A_133 = arith.constant 0 : i32
    %dma_wait3A_134 = tpu.memref_slice %arg5[%dma_wait3A_129, %dma_wait3A_133] : memref<10x80xi32, #tpu.memory_space<vmem>> -> memref<1x80xi32, #tpu.memory_space<vmem>>
    %dma_wait3A_135 = tpu.memref_squeeze %dma_wait3A_134 : memref<1x80xi32, #tpu.memory_space<vmem>> -> memref<80xi32, #tpu.memory_space<vmem>>
    %dma_wait3A_136 = arith.constant 0 : i32
    %dma_wait3A_137 = arith.constant 0 : i32
    %dma_wait3A_138 = tpu.memref_slice %arg2[%dma_wait3A_136, %dma_wait3A_137] : memref<100000x128xf32, #tpu.memory_space<hbm>> -> memref<100000x128xf32, #tpu.memory_space<hbm>>
    tpu.wait_indirect_dma semaphore(%arg7 : memref<!tpu.dma_semaphore, #tpu.memory_space<semaphore_mem>>) src(%dma_wait3A_138 : memref<100000x128xf32, #tpu.memory_space<hbm>>) dst(%dma_wait3A_132 : memref<80x128xf32, #tpu.memory_space<vmem>>)
    %dma_wait3A_139 = arith.constant 4 : i32
    %dma_wait3A_140 = arith.constant 320 : i32
    %dma_wait3A_141 = arith.constant 0 : i32
    %dma_wait3A_142 = tpu.memref_slice %arg6[%dma_wait3A_140, %dma_wait3A_141] : memref<800x128xf32, #tpu.memory_space<vmem>> -> memref<80x128xf32, #tpu.memory_space<vmem>>
    %dma_wait3A_143 = arith.constant 0 : i32
    %dma_wait3A_144 = tpu.memref_slice %arg5[%dma_wait3A_139, %dma_wait3A_143] : memref<10x80xi32, #tpu.memory_space<vmem>> -> memref<1x80xi32, #tpu.memory_space<vmem>>
    %dma_wait3A_145 = tpu.memref_squeeze %dma_wait3A_144 : memref<1x80xi32, #tpu.memory_space<vmem>> -> memref<80xi32, #tpu.memory_space<vmem>>
    %dma_wait3A_146 = arith.constant 0 : i32
    %dma_wait3A_147 = arith.constant 0 : i32
    %dma_wait3A_148 = tpu.memref_slice %arg2[%dma_wait3A_146, %dma_wait3A_147] : memref<100000x128xf32, #tpu.memory_space<hbm>> -> memref<100000x128xf32, #tpu.memory_space<hbm>>
    tpu.wait_indirect_dma semaphore(%arg7 : memref<!tpu.dma_semaphore, #tpu.memory_space<semaphore_mem>>) src(%dma_wait3A_148 : memref<100000x128xf32, #tpu.memory_space<hbm>>) dst(%dma_wait3A_142 : memref<80x128xf32, #tpu.memory_space<vmem>>)
    %dma_wait3A_149 = arith.constant 5 : i32
    %dma_wait3A_150 = arith.constant 400 : i32
    %dma_wait3A_151 = arith.constant 0 : i32
    %dma_wait3A_152 = tpu.memref_slice %arg6[%dma_wait3A_150, %dma_wait3A_151] : memref<800x128xf32, #tpu.memory_space<vmem>> -> memref<80x128xf32, #tpu.memory_space<vmem>>
    %dma_wait3A_153 = arith.constant 0 : i32
    %dma_wait3A_154 = tpu.memref_slice %arg5[%dma_wait3A_149, %dma_wait3A_153] : memref<10x80xi32, #tpu.memory_space<vmem>> -> memref<1x80xi32, #tpu.memory_space<vmem>>
    %dma_wait3A_155 = tpu.memref_squeeze %dma_wait3A_154 : memref<1x80xi32, #tpu.memory_space<vmem>> -> memref<80xi32, #tpu.memory_space<vmem>>
    %dma_wait3A_156 = arith.constant 0 : i32
    %dma_wait3A_157 = arith.constant 0 : i32
    %dma_wait3A_158 = tpu.memref_slice %arg2[%dma_wait3A_156, %dma_wait3A_157] : memref<100000x128xf32, #tpu.memory_space<hbm>> -> memref<100000x128xf32, #tpu.memory_space<hbm>>
    tpu.wait_indirect_dma semaphore(%arg7 : memref<!tpu.dma_semaphore, #tpu.memory_space<semaphore_mem>>) src(%dma_wait3A_158 : memref<100000x128xf32, #tpu.memory_space<hbm>>) dst(%dma_wait3A_152 : memref<80x128xf32, #tpu.memory_space<vmem>>)
    %dma_wait3A_159 = arith.constant 6 : i32
    %dma_wait3A_160 = arith.constant 480 : i32
    %dma_wait3A_161 = arith.constant 0 : i32
    %dma_wait3A_162 = tpu.memref_slice %arg6[%dma_wait3A_160, %dma_wait3A_161] : memref<800x128xf32, #tpu.memory_space<vmem>> -> memref<80x128xf32, #tpu.memory_space<vmem>>
    %dma_wait3A_163 = arith.constant 0 : i32
    %dma_wait3A_164 = tpu.memref_slice %arg5[%dma_wait3A_159, %dma_wait3A_163] : memref<10x80xi32, #tpu.memory_space<vmem>> -> memref<1x80xi32, #tpu.memory_space<vmem>>
    %dma_wait3A_165 = tpu.memref_squeeze %dma_wait3A_164 : memref<1x80xi32, #tpu.memory_space<vmem>> -> memref<80xi32, #tpu.memory_space<vmem>>
    %dma_wait3A_166 = arith.constant 0 : i32
    %dma_wait3A_167 = arith.constant 0 : i32
    %dma_wait3A_168 = tpu.memref_slice %arg2[%dma_wait3A_166, %dma_wait3A_167] : memref<100000x128xf32, #tpu.memory_space<hbm>> -> memref<100000x128xf32, #tpu.memory_space<hbm>>
    tpu.wait_indirect_dma semaphore(%arg7 : memref<!tpu.dma_semaphore, #tpu.memory_space<semaphore_mem>>) src(%dma_wait3A_168 : memref<100000x128xf32, #tpu.memory_space<hbm>>) dst(%dma_wait3A_162 : memref<80x128xf32, #tpu.memory_space<vmem>>)
    %dma_wait3A_169 = arith.constant 7 : i32
    %dma_wait3A_170 = arith.constant 560 : i32
    %dma_wait3A_171 = arith.constant 0 : i32
    %dma_wait3A_172 = tpu.memref_slice %arg6[%dma_wait3A_170, %dma_wait3A_171] : memref<800x128xf32, #tpu.memory_space<vmem>> -> memref<80x128xf32, #tpu.memory_space<vmem>>
    %dma_wait3A_173 = arith.constant 0 : i32
    %dma_wait3A_174 = tpu.memref_slice %arg5[%dma_wait3A_169, %dma_wait3A_173] : memref<10x80xi32, #tpu.memory_space<vmem>> -> memref<1x80xi32, #tpu.memory_space<vmem>>
    %dma_wait3A_175 = tpu.memref_squeeze %dma_wait3A_174 : memref<1x80xi32, #tpu.memory_space<vmem>> -> memref<80xi32, #tpu.memory_space<vmem>>
    %dma_wait3A_176 = arith.constant 0 : i32
    %dma_wait3A_177 = arith.constant 0 : i32
    %dma_wait3A_178 = tpu.memref_slice %arg2[%dma_wait3A_176, %dma_wait3A_177] : memref<100000x128xf32, #tpu.memory_space<hbm>> -> memref<100000x128xf32, #tpu.memory_space<hbm>>
    tpu.wait_indirect_dma semaphore(%arg7 : memref<!tpu.dma_semaphore, #tpu.memory_space<semaphore_mem>>) src(%dma_wait3A_178 : memref<100000x128xf32, #tpu.memory_space<hbm>>) dst(%dma_wait3A_172 : memref<80x128xf32, #tpu.memory_space<vmem>>)
    %dma_wait3A_179 = arith.constant 8 : i32
    %dma_wait3A_180 = arith.constant 640 : i32
    %dma_wait3A_181 = arith.constant 0 : i32
    %dma_wait3A_182 = tpu.memref_slice %arg6[%dma_wait3A_180, %dma_wait3A_181] : memref<800x128xf32, #tpu.memory_space<vmem>> -> memref<80x128xf32, #tpu.memory_space<vmem>>
    %dma_wait3A_183 = arith.constant 0 : i32
    %dma_wait3A_184 = tpu.memref_slice %arg5[%dma_wait3A_179, %dma_wait3A_183] : memref<10x80xi32, #tpu.memory_space<vmem>> -> memref<1x80xi32, #tpu.memory_space<vmem>>
    %dma_wait3A_185 = tpu.memref_squeeze %dma_wait3A_184 : memref<1x80xi32, #tpu.memory_space<vmem>> -> memref<80xi32, #tpu.memory_space<vmem>>
    %dma_wait3A_186 = arith.constant 0 : i32
    %dma_wait3A_187 = arith.constant 0 : i32
    %dma_wait3A_188 = tpu.memref_slice %arg2[%dma_wait3A_186, %dma_wait3A_187] : memref<100000x128xf32, #tpu.memory_space<hbm>> -> memref<100000x128xf32, #tpu.memory_space<hbm>>
    tpu.wait_indirect_dma semaphore(%arg7 : memref<!tpu.dma_semaphore, #tpu.memory_space<semaphore_mem>>) src(%dma_wait3A_188 : memref<100000x128xf32, #tpu.memory_space<hbm>>) dst(%dma_wait3A_182 : memref<80x128xf32, #tpu.memory_space<vmem>>)
    %dma_wait3A_189 = arith.constant 9 : i32
    %dma_wait3A_190 = arith.constant 720 : i32
    %dma_wait3A_191 = arith.constant 0 : i32
    %dma_wait3A_192 = tpu.memref_slice %arg6[%dma_wait3A_190, %dma_wait3A_191] : memref<800x128xf32, #tpu.memory_space<vmem>> -> memref<80x128xf32, #tpu.memory_space<vmem>>
    %dma_wait3A_193 = arith.constant 0 : i32
    %dma_wait3A_194 = tpu.memref_slice %arg5[%dma_wait3A_189, %dma_wait3A_193] : memref<10x80xi32, #tpu.memory_space<vmem>> -> memref<1x80xi32, #tpu.memory_space<vmem>>
    %dma_wait3A_195 = tpu.memref_squeeze %dma_wait3A_194 : memref<1x80xi32, #tpu.memory_space<vmem>> -> memref<80xi32, #tpu.memory_space<vmem>>
    %dma_wait3A_196 = arith.constant 0 : i32
    %dma_wait3A_197 = arith.constant 0 : i32
    %dma_wait3A_198 = tpu.memref_slice %arg2[%dma_wait3A_196, %dma_wait3A_197] : memref<100000x128xf32, #tpu.memory_space<hbm>> -> memref<100000x128xf32, #tpu.memory_space<hbm>>
    tpu.wait_indirect_dma semaphore(%arg7 : memref<!tpu.dma_semaphore, #tpu.memory_space<semaphore_mem>>) src(%dma_wait3A_198 : memref<100000x128xf32, #tpu.memory_space<hbm>>) dst(%dma_wait3A_192 : memref<80x128xf32, #tpu.memory_space<vmem>>)
    %mul3A_199 = arith.constant 800 : i32
    %mul3A_200 = arith.muli %add3A, %mul3A_199 : i32
    "tpu.region"() ({
      %run_scoped3A = tpu.sem_alloc : memref<!tpu.dma_semaphore, #tpu.memory_space<semaphore_mem>>
      %dma_start3A_201 = arith.constant 0 : i32
      %dma_start3A_202 = tpu.memref_slice %arg4[%mul3A_200, %dma_start3A_201] : memref<25600x128xf32, #tpu.memory_space<hbm>> -> memref<800x128xf32, #tpu.memory_space<hbm>>
      %dma_start3A_203 = arith.constant 0 : i32
      %dma_start3A_204 = tpu.memref_slice %arg4[%mul3A_200, %dma_start3A_203] : memref<25600x128xf32, #tpu.memory_space<hbm>> -> memref<800x128xf32, #tpu.memory_space<hbm>>
      tpu.enqueue_dma source(%arg6 : memref<800x128xf32, #tpu.memory_space<vmem>>) target(%dma_start3A_204 : memref<800x128xf32, #tpu.memory_space<hbm>>) target_semaphore(%run_scoped3A : memref<!tpu.dma_semaphore, #tpu.memory_space<semaphore_mem>>)
      %dma_wait3A_205 = arith.constant 0 : i32
      %dma_wait3A_206 = tpu.memref_slice %arg4[%mul3A_200, %dma_wait3A_205] : memref<25600x128xf32, #tpu.memory_space<hbm>> -> memref<800x128xf32, #tpu.memory_space<hbm>>
      %dma_wait3A_207 = arith.constant 0 : i32
      %dma_wait3A_208 = tpu.memref_slice %arg4[%mul3A_200, %dma_wait3A_207] : memref<25600x128xf32, #tpu.memory_space<hbm>> -> memref<800x128xf32, #tpu.memory_space<hbm>>
      tpu.wait_dma2 semaphore(%run_scoped3A : memref<!tpu.dma_semaphore, #tpu.memory_space<semaphore_mem>>) src(%arg6 : memref<800x128xf32, #tpu.memory_space<vmem>>) dst(%dma_wait3A_208 : memref<800x128xf32, #tpu.memory_space<hbm>>)
      tpu.yield
    }) : () -> ()
    return
  }
}

module attributes {stable_mosaic.version = 14 : i64} {
  func.func @_tc_body(%arg0: i32, %arg1: memref<16x200x128xf32, #tpu.memory_space<vmem>>, %arg2: memref<200x128xf32, #tpu.memory_space<vmem>>, %arg3: memref<16x8xi32, #tpu.memory_space<vmem>>, %arg4: memref<16x8xf32, #tpu.memory_space<vmem>>, %arg5: memref<10x384x128xbf16, #tpu.memory_space<vmem>>, %arg6: memref<8x128xf32, #tpu.memory_space<vmem>>, %arg7: memref<1x128xf32, #tpu.memory_space<vmem>>, %arg8: memref<1000x128xf32, #tpu.memory_space<vmem>>, %arg9: memref<1x128xf32, #tpu.memory_space<vmem>>, %arg10: memref<1x128xf32, #tpu.memory_space<vmem>>, %arg11: memref<1x128xf32, #tpu.memory_space<vmem>>, %arg12: memref<1x128xf32, #tpu.memory_space<vmem>>, %arg13: memref<1x128xf32, #tpu.memory_space<vmem>>, %arg14: memref<1x128xf32, #tpu.memory_space<vmem>>, %arg15: memref<1x128xf32, #tpu.memory_space<vmem>>, %arg16: memref<1x128xf32, #tpu.memory_space<vmem>>, %arg17: memref<16x128xf32, #tpu.memory_space<vmem>>) attributes {dimension_semantics = [#tpu.dimension_semantics<arbitrary>], iteration_bounds = array<i64: 8>, scalar_prefetch = 0 : i64, scratch_operands = 0 : i64, tpu.core_type = #tpu.core_type<tc>, window_params = [{transform_indices = @transform_0, window_bounds = array<i64: 16, 200, 128>}, {pipeline_mode = #tpu.pipeline_mode<synchronous>, transform_indices = @transform_1, window_bounds = array<i64: 200, 128>}, {transform_indices = @transform_2, window_bounds = array<i64: 16, 8>}, {transform_indices = @transform_3, window_bounds = array<i64: 16, 8>}, {pipeline_mode = #tpu.pipeline_mode<synchronous>, transform_indices = @transform_4, window_bounds = array<i64: 10, 384, 128>}, {pipeline_mode = #tpu.pipeline_mode<synchronous>, transform_indices = @transform_5, window_bounds = array<i64: 8, 128>}, {pipeline_mode = #tpu.pipeline_mode<synchronous>, transform_indices = @transform_6, window_bounds = array<i64: 1, 128>}, {pipeline_mode = #tpu.pipeline_mode<synchronous>, transform_indices = @transform_7, window_bounds = array<i64: 1000, 128>}, {pipeline_mode = #tpu.pipeline_mode<synchronous>, transform_indices = @transform_8, window_bounds = array<i64: 1, 128>}, {pipeline_mode = #tpu.pipeline_mode<synchronous>, transform_indices = @transform_9, window_bounds = array<i64: 1, 128>}, {pipeline_mode = #tpu.pipeline_mode<synchronous>, transform_indices = @transform_10, window_bounds = array<i64: 1, 128>}, {pipeline_mode = #tpu.pipeline_mode<synchronous>, transform_indices = @transform_11, window_bounds = array<i64: 1, 128>}, {pipeline_mode = #tpu.pipeline_mode<synchronous>, transform_indices = @transform_12, window_bounds = array<i64: 1, 128>}, {pipeline_mode = #tpu.pipeline_mode<synchronous>, transform_indices = @transform_13, window_bounds = array<i64: 1, 128>}, {pipeline_mode = #tpu.pipeline_mode<synchronous>, transform_indices = @transform_14, window_bounds = array<i64: 1, 128>}, {pipeline_mode = #tpu.pipeline_mode<synchronous>, transform_indices = @transform_15, window_bounds = array<i64: 1, 128>}, {transform_indices = @transform_16, window_bounds = array<i64: 16, 128>}]} {
    %get3A = arith.constant 0 : index
    %get3A_0 = arith.constant 0 : index
    %get3A_1 = arith.constant 0 : index
    %get3A_2 = vector.load %arg1[%get3A, %get3A_0, %get3A_1] : memref<16x200x128xf32, #tpu.memory_space<vmem>>, vector<16x200x128xf32>
    %get3A_3 = arith.constant 0 : index
    %get3A_4 = arith.constant 0 : index
    %get3A_5 = vector.load %arg2[%get3A_3, %get3A_4] : memref<200x128xf32, #tpu.memory_space<vmem>>, vector<200x128xf32>
    %broadcast_in_dim3A = vector.shape_cast %get3A_5 : vector<200x128xf32> to vector<1x200x128xf32>
    %add3A = vector.broadcast %broadcast_in_dim3A : vector<1x200x128xf32> to vector<16x200x128xf32>
    %add3A_6 = arith.addf %get3A_2, %add3A : vector<16x200x128xf32>
    %reshape3A = vector.shape_cast %add3A_6 : vector<16x200x128xf32> to vector<3200x128xf32>
    %iota3A = tpu.iota {dimensions = array<i32: 1>} : vector<16x1000xi32>
    %convert_element_type3A = arith.truncf %reshape3A : vector<3200x128xf32> to vector<3200x128xbf16>
    %convert_element_type3A_7 = arith.extf %convert_element_type3A : vector<3200x128xbf16> to vector<3200x128xf32>
    %sub3A = arith.subf %reshape3A, %convert_element_type3A_7 : vector<3200x128xf32>
    %convert_element_type3A_8 = arith.truncf %sub3A : vector<3200x128xf32> to vector<3200x128xbf16>
    %concatenate3A = tpu.concatenate %convert_element_type3A, %convert_element_type3A_8, %convert_element_type3A in 1 : vector<3200x128xbf16>, vector<3200x128xbf16>, vector<3200x128xbf16> -> vector<3200x384xbf16>
    %get3A_9 = arith.constant 0 : index
    %get3A_10 = arith.constant 0 : index
    %get3A_11 = arith.constant 0 : index
    %get3A_12 = vector.load %arg5[%get3A_9, %get3A_10, %get3A_11] : memref<10x384x128xbf16, #tpu.memory_space<vmem>>, vector<1x384x128xbf16>
    %get3A_13 = vector.shape_cast %get3A_12 : vector<1x384x128xbf16> to vector<384x128xbf16>
    %dot_general3A = arith.constant dense<0.000000e+00> : vector<3200x128xf32>
    %dot_general3A_14 = tpu.matmul %concatenate3A, %get3A_13, %dot_general3A {dimension_numbers = #tpu.dot_dimension_numbers<[1], [0], [0], [1], [0, 0, 1, 1], [], []>, transpose_lhs_hint = false} : vector<3200x384xbf16>, vector<384x128xbf16>, vector<3200x128xf32> -> vector<3200x128xf32>
    %get3A_15 = arith.constant 0 : index
    %get3A_16 = arith.constant 0 : index
    %get3A_17 = vector.load %arg9[%get3A_15, %get3A_16] : memref<1x128xf32, #tpu.memory_space<vmem>>, vector<1x128xf32>
    %get3A_18 = arith.constant 0 : index
    %get3A_19 = arith.constant 0 : index
    %get3A_20 = vector.load %arg10[%get3A_18, %get3A_19] : memref<1x128xf32, #tpu.memory_space<vmem>>, vector<1x128xf32>
    %reduce_sum3A = arith.constant dense<0.000000e+00> : vector<3200xf32>
    %reduce_sum3A_21 = vector.multi_reduction <add>, %dot_general3A_14, %reduce_sum3A [1] : vector<3200x128xf32> to vector<3200xf32>
    %broadcast_in_dim3A_22 = vector.shape_cast %reduce_sum3A_21 : vector<3200xf32> to vector<3200x1xf32>
    %div3A = arith.constant 1.280000e+02 : f32
    %div3A_23 = vector.broadcast %div3A : f32 to vector<3200x1xf32>
    %div3A_24 = arith.divf %broadcast_in_dim3A_22, %div3A_23 : vector<3200x1xf32>
    %sub3A_25 = vector.broadcast %div3A_24 : vector<3200x1xf32> to vector<3200x128xf32>
    %sub3A_26 = arith.subf %dot_general3A_14, %sub3A_25 : vector<3200x128xf32>
    %integer_pow3A = arith.mulf %sub3A_26, %sub3A_26 : vector<3200x128xf32>
    %reduce_sum3A_27 = arith.constant dense<0.000000e+00> : vector<3200xf32>
    %reduce_sum3A_28 = vector.multi_reduction <add>, %integer_pow3A, %reduce_sum3A_27 [1] : vector<3200x128xf32> to vector<3200xf32>
    %broadcast_in_dim3A_29 = vector.shape_cast %reduce_sum3A_28 : vector<3200xf32> to vector<3200x1xf32>
    %div3A_30 = arith.constant 1.280000e+02 : f32
    %div3A_31 = vector.broadcast %div3A_30 : f32 to vector<3200x1xf32>
    %div3A_32 = arith.divf %broadcast_in_dim3A_29, %div3A_31 : vector<3200x1xf32>
    %sub3A_33 = vector.broadcast %div3A_24 : vector<3200x1xf32> to vector<3200x128xf32>
    %sub3A_34 = arith.subf %dot_general3A_14, %sub3A_33 : vector<3200x128xf32>
    %add3A_35 = arith.constant 1.000000e-03 : f32
    %add3A_36 = vector.broadcast %add3A_35 : f32 to vector<3200x1xf32>
    %add3A_37 = arith.addf %div3A_32, %add3A_36 : vector<3200x1xf32>
    %sqrt3A = math.sqrt %add3A_37 : vector<3200x1xf32>
    %div3A_38 = vector.broadcast %sqrt3A : vector<3200x1xf32> to vector<3200x128xf32>
    %div3A_39 = arith.divf %sub3A_34, %div3A_38 : vector<3200x128xf32>
    %mul3A = vector.broadcast %get3A_17 : vector<1x128xf32> to vector<3200x128xf32>
    %mul3A_40 = arith.mulf %div3A_39, %mul3A : vector<3200x128xf32>
    %add3A_41 = vector.broadcast %get3A_20 : vector<1x128xf32> to vector<3200x128xf32>
    %add3A_42 = arith.addf %mul3A_40, %add3A_41 : vector<3200x128xf32>
    %reshape3A_43 = vector.shape_cast %add3A_42 : vector<3200x128xf32> to vector<16x200x128xf32>
    %get3A_44 = arith.constant 0 : index
    %get3A_45 = arith.constant 0 : index
    %get3A_46 = vector.load %arg3[%get3A_44, %get3A_45] : memref<16x8xi32, #tpu.memory_space<vmem>>, vector<16x1xi32>
    %eq3A = vector.broadcast %get3A_46 : vector<16x1xi32> to vector<16x1000xi32>
    %eq3A_47 = arith.cmpi eq, %iota3A, %eq3A : vector<16x1000xi32>
    %convert_element_type3A_48 = arith.extui %eq3A_47 : vector<16x1000xi1> to vector<16x1000xi32>
    %convert_element_type3A_49 = arith.sitofp %convert_element_type3A_48 : vector<16x1000xi32> to vector<16x1000xf32>
    %get3A_50 = arith.constant 0 : index
    %get3A_51 = arith.constant 1 : index
    %get3A_52 = vector.load %arg3[%get3A_50, %get3A_51] : memref<16x8xi32, #tpu.memory_space<vmem>>, vector<16x1xi32>
    %eq3A_53 = vector.broadcast %get3A_52 : vector<16x1xi32> to vector<16x1000xi32>
    %eq3A_54 = arith.cmpi eq, %iota3A, %eq3A_53 : vector<16x1000xi32>
    %convert_element_type3A_55 = arith.extui %eq3A_54 : vector<16x1000xi1> to vector<16x1000xi32>
    %convert_element_type3A_56 = arith.sitofp %convert_element_type3A_55 : vector<16x1000xi32> to vector<16x1000xf32>
    %get3A_57 = arith.constant 0 : index
    %get3A_58 = arith.constant 2 : index
    %get3A_59 = vector.load %arg3[%get3A_57, %get3A_58] : memref<16x8xi32, #tpu.memory_space<vmem>>, vector<16x1xi32>
    %eq3A_60 = vector.broadcast %get3A_59 : vector<16x1xi32> to vector<16x1000xi32>
    %eq3A_61 = arith.cmpi eq, %iota3A, %eq3A_60 : vector<16x1000xi32>
    %convert_element_type3A_62 = arith.extui %eq3A_61 : vector<16x1000xi1> to vector<16x1000xi32>
    %convert_element_type3A_63 = arith.sitofp %convert_element_type3A_62 : vector<16x1000xi32> to vector<16x1000xf32>
    %get3A_64 = arith.constant 0 : index
    %get3A_65 = arith.constant 3 : index
    %get3A_66 = vector.load %arg3[%get3A_64, %get3A_65] : memref<16x8xi32, #tpu.memory_space<vmem>>, vector<16x1xi32>
    %eq3A_67 = vector.broadcast %get3A_66 : vector<16x1xi32> to vector<16x1000xi32>
    %eq3A_68 = arith.cmpi eq, %iota3A, %eq3A_67 : vector<16x1000xi32>
    %convert_element_type3A_69 = arith.extui %eq3A_68 : vector<16x1000xi1> to vector<16x1000xi32>
    %convert_element_type3A_70 = arith.sitofp %convert_element_type3A_69 : vector<16x1000xi32> to vector<16x1000xf32>
    %get3A_71 = arith.constant 0 : index
    %get3A_72 = arith.constant 4 : index
    %get3A_73 = vector.load %arg3[%get3A_71, %get3A_72] : memref<16x8xi32, #tpu.memory_space<vmem>>, vector<16x1xi32>
    %eq3A_74 = vector.broadcast %get3A_73 : vector<16x1xi32> to vector<16x1000xi32>
    %eq3A_75 = arith.cmpi eq, %iota3A, %eq3A_74 : vector<16x1000xi32>
    %convert_element_type3A_76 = arith.extui %eq3A_75 : vector<16x1000xi1> to vector<16x1000xi32>
    %convert_element_type3A_77 = arith.sitofp %convert_element_type3A_76 : vector<16x1000xi32> to vector<16x1000xf32>
    %get3A_78 = arith.constant 0 : index
    %get3A_79 = arith.constant 5 : index
    %get3A_80 = vector.load %arg3[%get3A_78, %get3A_79] : memref<16x8xi32, #tpu.memory_space<vmem>>, vector<16x1xi32>
    %eq3A_81 = vector.broadcast %get3A_80 : vector<16x1xi32> to vector<16x1000xi32>
    %eq3A_82 = arith.cmpi eq, %iota3A, %eq3A_81 : vector<16x1000xi32>
    %convert_element_type3A_83 = arith.extui %eq3A_82 : vector<16x1000xi1> to vector<16x1000xi32>
    %convert_element_type3A_84 = arith.sitofp %convert_element_type3A_83 : vector<16x1000xi32> to vector<16x1000xf32>
    %get3A_85 = arith.constant 0 : index
    %get3A_86 = arith.constant 6 : index
    %get3A_87 = vector.load %arg3[%get3A_85, %get3A_86] : memref<16x8xi32, #tpu.memory_space<vmem>>, vector<16x1xi32>
    %eq3A_88 = vector.broadcast %get3A_87 : vector<16x1xi32> to vector<16x1000xi32>
    %eq3A_89 = arith.cmpi eq, %iota3A, %eq3A_88 : vector<16x1000xi32>
    %convert_element_type3A_90 = arith.extui %eq3A_89 : vector<16x1000xi1> to vector<16x1000xi32>
    %convert_element_type3A_91 = arith.sitofp %convert_element_type3A_90 : vector<16x1000xi32> to vector<16x1000xf32>
    %get3A_92 = arith.constant 0 : index
    %get3A_93 = arith.constant 7 : index
    %get3A_94 = vector.load %arg3[%get3A_92, %get3A_93] : memref<16x8xi32, #tpu.memory_space<vmem>>, vector<16x1xi32>
    %eq3A_95 = vector.broadcast %get3A_94 : vector<16x1xi32> to vector<16x1000xi32>
    %eq3A_96 = arith.cmpi eq, %iota3A, %eq3A_95 : vector<16x1000xi32>
    %convert_element_type3A_97 = arith.extui %eq3A_96 : vector<16x1000xi1> to vector<16x1000xi32>
    %convert_element_type3A_98 = arith.sitofp %convert_element_type3A_97 : vector<16x1000xi32> to vector<16x1000xf32>
    %concatenate3A_99 = tpu.concatenate %convert_element_type3A_49, %convert_element_type3A_56, %convert_element_type3A_63, %convert_element_type3A_70, %convert_element_type3A_77, %convert_element_type3A_84, %convert_element_type3A_91, %convert_element_type3A_98 in 0 : vector<16x1000xf32>, vector<16x1000xf32>, vector<16x1000xf32>, vector<16x1000xf32>, vector<16x1000xf32>, vector<16x1000xf32>, vector<16x1000xf32>, vector<16x1000xf32> -> vector<128x1000xf32>
    %get3A_100 = arith.constant 0 : index
    %get3A_101 = arith.constant 0 : index
    %get3A_102 = vector.load %arg8[%get3A_100, %get3A_101] : memref<1000x128xf32, #tpu.memory_space<vmem>>, vector<1000x128xf32>
    %dot_general3A_103 = arith.constant dense<0.000000e+00> : vector<128x128xf32>
    %dot_general3A_104 = tpu.matmul %concatenate3A_99, %get3A_102, %dot_general3A_103 {dimension_numbers = #tpu.dot_dimension_numbers<[1], [0], [0], [1], [0, 0, 1, 1], [], []>, precision = #tpu.contract_precision<fp32>, transpose_lhs_hint = false} : vector<128x1000xf32>, vector<1000x128xf32>, vector<128x128xf32> -> vector<128x128xf32>
    %get3A_105 = arith.constant 0 : index
    %get3A_106 = arith.constant 0 : index
    %get3A_107 = vector.load %arg4[%get3A_105, %get3A_106] : memref<16x8xf32, #tpu.memory_space<vmem>>, vector<16x8xf32>
    %neg3A = arith.constant 0.000000e+00 : f32
    %neg3A_108 = vector.broadcast %neg3A : f32 to vector<16x8xf32>
    %neg3A_109 = arith.subf %neg3A_108, %get3A_107 : vector<16x8xf32>
    %exp3A = math.exp %neg3A_109 : vector<16x8xf32>
    %add3A_110 = arith.constant 1.000000e+00 : f32
    %add3A_111 = vector.broadcast %add3A_110 : f32 to vector<16x8xf32>
    %add3A_112 = arith.addf %add3A_111, %exp3A : vector<16x8xf32>
    %div3A_113 = arith.constant 1.000000e+00 : f32
    %div3A_114 = vector.broadcast %div3A_113 : f32 to vector<16x8xf32>
    %div3A_115 = arith.divf %div3A_114, %add3A_112 : vector<16x8xf32>
    %slice3A = vector.extract_strided_slice %dot_general3A_104 {offsets = [0, 0], sizes = [16, 128], strides = [1, 1]} : vector<128x128xf32> to vector<16x128xf32>
    %slice3A_116 = vector.extract_strided_slice %div3A_115 {offsets = [0, 0], sizes = [16, 1], strides = [1, 1]} : vector<16x8xf32> to vector<16x1xf32>
    %mul3A_117 = vector.broadcast %slice3A_116 : vector<16x1xf32> to vector<16x128xf32>
    %mul3A_118 = arith.mulf %slice3A, %mul3A_117 : vector<16x128xf32>
    %broadcast_in_dim3A_119 = vector.shape_cast %mul3A_118 : vector<16x128xf32> to vector<16x1x128xf32>
    %slice3A_120 = vector.extract_strided_slice %dot_general3A_104 {offsets = [16, 0], sizes = [16, 128], strides = [1, 1]} : vector<128x128xf32> to vector<16x128xf32>
    %slice3A_121 = vector.extract_strided_slice %div3A_115 {offsets = [0, 1], sizes = [16, 1], strides = [1, 1]} : vector<16x8xf32> to vector<16x1xf32>
    %mul3A_122 = vector.broadcast %slice3A_121 : vector<16x1xf32> to vector<16x128xf32>
    %mul3A_123 = arith.mulf %slice3A_120, %mul3A_122 : vector<16x128xf32>
    %broadcast_in_dim3A_124 = vector.shape_cast %mul3A_123 : vector<16x128xf32> to vector<16x1x128xf32>
    %slice3A_125 = vector.extract_strided_slice %dot_general3A_104 {offsets = [32, 0], sizes = [16, 128], strides = [1, 1]} : vector<128x128xf32> to vector<16x128xf32>
    %slice3A_126 = vector.extract_strided_slice %div3A_115 {offsets = [0, 2], sizes = [16, 1], strides = [1, 1]} : vector<16x8xf32> to vector<16x1xf32>
    %mul3A_127 = vector.broadcast %slice3A_126 : vector<16x1xf32> to vector<16x128xf32>
    %mul3A_128 = arith.mulf %slice3A_125, %mul3A_127 : vector<16x128xf32>
    %broadcast_in_dim3A_129 = vector.shape_cast %mul3A_128 : vector<16x128xf32> to vector<16x1x128xf32>
    %slice3A_130 = vector.extract_strided_slice %dot_general3A_104 {offsets = [48, 0], sizes = [16, 128], strides = [1, 1]} : vector<128x128xf32> to vector<16x128xf32>
    %slice3A_131 = vector.extract_strided_slice %div3A_115 {offsets = [0, 3], sizes = [16, 1], strides = [1, 1]} : vector<16x8xf32> to vector<16x1xf32>
    %mul3A_132 = vector.broadcast %slice3A_131 : vector<16x1xf32> to vector<16x128xf32>
    %mul3A_133 = arith.mulf %slice3A_130, %mul3A_132 : vector<16x128xf32>
    %broadcast_in_dim3A_134 = vector.shape_cast %mul3A_133 : vector<16x128xf32> to vector<16x1x128xf32>
    %slice3A_135 = vector.extract_strided_slice %dot_general3A_104 {offsets = [64, 0], sizes = [16, 128], strides = [1, 1]} : vector<128x128xf32> to vector<16x128xf32>
    %slice3A_136 = vector.extract_strided_slice %div3A_115 {offsets = [0, 4], sizes = [16, 1], strides = [1, 1]} : vector<16x8xf32> to vector<16x1xf32>
    %mul3A_137 = vector.broadcast %slice3A_136 : vector<16x1xf32> to vector<16x128xf32>
    %mul3A_138 = arith.mulf %slice3A_135, %mul3A_137 : vector<16x128xf32>
    %broadcast_in_dim3A_139 = vector.shape_cast %mul3A_138 : vector<16x128xf32> to vector<16x1x128xf32>
    %slice3A_140 = vector.extract_strided_slice %dot_general3A_104 {offsets = [80, 0], sizes = [16, 128], strides = [1, 1]} : vector<128x128xf32> to vector<16x128xf32>
    %slice3A_141 = vector.extract_strided_slice %div3A_115 {offsets = [0, 5], sizes = [16, 1], strides = [1, 1]} : vector<16x8xf32> to vector<16x1xf32>
    %mul3A_142 = vector.broadcast %slice3A_141 : vector<16x1xf32> to vector<16x128xf32>
    %mul3A_143 = arith.mulf %slice3A_140, %mul3A_142 : vector<16x128xf32>
    %broadcast_in_dim3A_144 = vector.shape_cast %mul3A_143 : vector<16x128xf32> to vector<16x1x128xf32>
    %slice3A_145 = vector.extract_strided_slice %dot_general3A_104 {offsets = [96, 0], sizes = [16, 128], strides = [1, 1]} : vector<128x128xf32> to vector<16x128xf32>
    %slice3A_146 = vector.extract_strided_slice %div3A_115 {offsets = [0, 6], sizes = [16, 1], strides = [1, 1]} : vector<16x8xf32> to vector<16x1xf32>
    %mul3A_147 = vector.broadcast %slice3A_146 : vector<16x1xf32> to vector<16x128xf32>
    %mul3A_148 = arith.mulf %slice3A_145, %mul3A_147 : vector<16x128xf32>
    %broadcast_in_dim3A_149 = vector.shape_cast %mul3A_148 : vector<16x128xf32> to vector<16x1x128xf32>
    %slice3A_150 = vector.extract_strided_slice %dot_general3A_104 {offsets = [112, 0], sizes = [16, 128], strides = [1, 1]} : vector<128x128xf32> to vector<16x128xf32>
    %slice3A_151 = vector.extract_strided_slice %div3A_115 {offsets = [0, 7], sizes = [16, 1], strides = [1, 1]} : vector<16x8xf32> to vector<16x1xf32>
    %mul3A_152 = vector.broadcast %slice3A_151 : vector<16x1xf32> to vector<16x128xf32>
    %mul3A_153 = arith.mulf %slice3A_150, %mul3A_152 : vector<16x128xf32>
    %broadcast_in_dim3A_154 = vector.shape_cast %mul3A_153 : vector<16x128xf32> to vector<16x1x128xf32>
    %concatenate3A_155 = tpu.concatenate %broadcast_in_dim3A_119, %broadcast_in_dim3A_124, %broadcast_in_dim3A_129, %broadcast_in_dim3A_134, %broadcast_in_dim3A_139, %broadcast_in_dim3A_144, %broadcast_in_dim3A_149, %broadcast_in_dim3A_154 in 1 : vector<16x1x128xf32>, vector<16x1x128xf32>, vector<16x1x128xf32>, vector<16x1x128xf32>, vector<16x1x128xf32>, vector<16x1x128xf32>, vector<16x1x128xf32>, vector<16x1x128xf32> -> vector<16x8x128xf32>
    %get3A_156 = arith.constant 0 : index
    %get3A_157 = arith.constant 0 : index
    %get3A_158 = vector.load %arg11[%get3A_156, %get3A_157] : memref<1x128xf32, #tpu.memory_space<vmem>>, vector<1x128xf32>
    %get3A_159 = arith.constant 0 : index
    %get3A_160 = arith.constant 0 : index
    %get3A_161 = vector.load %arg12[%get3A_159, %get3A_160] : memref<1x128xf32, #tpu.memory_space<vmem>>, vector<1x128xf32>
    %reduce_sum3A_162 = arith.constant dense<0.000000e+00> : vector<16x8xf32>
    %reduce_sum3A_163 = vector.multi_reduction <add>, %concatenate3A_155, %reduce_sum3A_162 [2] : vector<16x8x128xf32> to vector<16x8xf32>
    %broadcast_in_dim3A_164 = vector.shape_cast %reduce_sum3A_163 : vector<16x8xf32> to vector<16x8x1xf32>
    %div3A_165 = arith.constant 1.280000e+02 : f32
    %div3A_166 = vector.broadcast %div3A_165 : f32 to vector<16x8x1xf32>
    %div3A_167 = arith.divf %broadcast_in_dim3A_164, %div3A_166 : vector<16x8x1xf32>
    %sub3A_168 = vector.broadcast %div3A_167 : vector<16x8x1xf32> to vector<16x8x128xf32>
    %sub3A_169 = arith.subf %concatenate3A_155, %sub3A_168 : vector<16x8x128xf32>
    %integer_pow3A_170 = arith.mulf %sub3A_169, %sub3A_169 : vector<16x8x128xf32>
    %reduce_sum3A_171 = arith.constant dense<0.000000e+00> : vector<16x8xf32>
    %reduce_sum3A_172 = vector.multi_reduction <add>, %integer_pow3A_170, %reduce_sum3A_171 [2] : vector<16x8x128xf32> to vector<16x8xf32>
    %broadcast_in_dim3A_173 = vector.shape_cast %reduce_sum3A_172 : vector<16x8xf32> to vector<16x8x1xf32>
    %div3A_174 = arith.constant 1.280000e+02 : f32
    %div3A_175 = vector.broadcast %div3A_174 : f32 to vector<16x8x1xf32>
    %div3A_176 = arith.divf %broadcast_in_dim3A_173, %div3A_175 : vector<16x8x1xf32>
    %sub3A_177 = vector.broadcast %div3A_167 : vector<16x8x1xf32> to vector<16x8x128xf32>
    %sub3A_178 = arith.subf %concatenate3A_155, %sub3A_177 : vector<16x8x128xf32>
    %add3A_179 = arith.constant 1.000000e-03 : f32
    %add3A_180 = vector.broadcast %add3A_179 : f32 to vector<16x8x1xf32>
    %add3A_181 = arith.addf %div3A_176, %add3A_180 : vector<16x8x1xf32>
    %sqrt3A_182 = math.sqrt %add3A_181 : vector<16x8x1xf32>
    %div3A_183 = vector.broadcast %sqrt3A_182 : vector<16x8x1xf32> to vector<16x8x128xf32>
    %div3A_184 = arith.divf %sub3A_178, %div3A_183 : vector<16x8x128xf32>
    %broadcast_in_dim3A_185 = vector.shape_cast %get3A_158 : vector<1x128xf32> to vector<1x1x128xf32>
    %mul3A_186 = vector.broadcast %broadcast_in_dim3A_185 : vector<1x1x128xf32> to vector<16x8x128xf32>
    %mul3A_187 = arith.mulf %div3A_184, %mul3A_186 : vector<16x8x128xf32>
    %broadcast_in_dim3A_188 = vector.shape_cast %get3A_161 : vector<1x128xf32> to vector<1x1x128xf32>
    %add3A_189 = vector.broadcast %broadcast_in_dim3A_188 : vector<1x1x128xf32> to vector<16x8x128xf32>
    %add3A_190 = arith.addf %mul3A_187, %add3A_189 : vector<16x8x128xf32>
    %dot_general3A_191 = arith.constant dense<0.000000e+00> : vector<16x200x8xf32>
    %dot_general3A_192 = tpu.matmul %reshape3A_43, %add3A_190, %dot_general3A_191 {dimension_numbers = #tpu.dot_dimension_numbers<[2], [2], [1], [1], [0, 0, 0, 1, 1, 1], [0], [0]>, precision = #tpu.contract_precision<fp32>, transpose_lhs_hint = false} : vector<16x200x128xf32>, vector<16x8x128xf32>, vector<16x200x8xf32> -> vector<16x200x8xf32>
    %reduce_max3A = arith.constant dense<0xFF800000> : vector<16x200xf32>
    %reduce_max3A_193 = vector.multi_reduction <maximumf>, %dot_general3A_192, %reduce_max3A [2] : vector<16x200x8xf32> to vector<16x200xf32>
    %broadcast_in_dim3A_194 = vector.shape_cast %reduce_max3A_193 : vector<16x200xf32> to vector<16x200x1xf32>
    %sub3A_195 = vector.broadcast %broadcast_in_dim3A_194 : vector<16x200x1xf32> to vector<16x200x8xf32>
    %sub3A_196 = arith.subf %dot_general3A_192, %sub3A_195 : vector<16x200x8xf32>
    %exp3A_197 = math.exp %sub3A_196 : vector<16x200x8xf32>
    %reduce_sum3A_198 = arith.constant dense<0.000000e+00> : vector<16x200xf32>
    %reduce_sum3A_199 = vector.multi_reduction <add>, %exp3A_197, %reduce_sum3A_198 [2] : vector<16x200x8xf32> to vector<16x200xf32>
    %broadcast_in_dim3A_200 = vector.shape_cast %reduce_sum3A_199 : vector<16x200xf32> to vector<16x200x1xf32>
    %div3A_201 = vector.broadcast %broadcast_in_dim3A_200 : vector<16x200x1xf32> to vector<16x200x8xf32>
    %div3A_202 = arith.divf %exp3A_197, %div3A_201 : vector<16x200x8xf32>
    %get3A_203 = arith.constant 1 : index
    %get3A_204 = arith.constant 0 : index
    %get3A_205 = arith.constant 0 : index
    %get3A_206 = vector.load %arg5[%get3A_203, %get3A_204, %get3A_205] : memref<10x384x128xbf16, #tpu.memory_space<vmem>>, vector<1x384x128xbf16>
    %get3A_207 = vector.shape_cast %get3A_206 : vector<1x384x128xbf16> to vector<384x128xbf16>
    %dot_general3A_208 = arith.constant dense<0.000000e+00> : vector<3200x128xf32>
    %dot_general3A_209 = tpu.matmul %concatenate3A, %get3A_207, %dot_general3A_208 {dimension_numbers = #tpu.dot_dimension_numbers<[1], [0], [0], [1], [0, 0, 1, 1], [], []>, transpose_lhs_hint = false} : vector<3200x384xbf16>, vector<384x128xbf16>, vector<3200x128xf32> -> vector<3200x128xf32>
    %tanh3A = math.tanh %dot_general3A_209 : vector<3200x128xf32>
    %reshape3A_210 = vector.shape_cast %tanh3A : vector<3200x128xf32> to vector<16x200x128xf32>
    %get3A_211 = arith.constant 0 : index
    %get3A_212 = arith.constant 0 : index
    %get3A_213 = vector.load %arg6[%get3A_211, %get3A_212] : memref<8x128xf32, #tpu.memory_space<vmem>>, vector<1x128xf32>
    %get3A_214 = vector.shape_cast %get3A_213 : vector<1x128xf32> to vector<128xf32>
    %broadcast_in_dim3A_215 = vector.shape_cast %get3A_214 : vector<128xf32> to vector<1x1x128xf32>
    %mul3A_216 = vector.broadcast %broadcast_in_dim3A_215 : vector<1x1x128xf32> to vector<16x200x128xf32>
    %mul3A_217 = arith.mulf %reshape3A_210, %mul3A_216 : vector<16x200x128xf32>
    %reduce_sum3A_218 = arith.constant dense<0.000000e+00> : vector<16x200xf32>
    %reduce_sum3A_219 = vector.multi_reduction <add>, %mul3A_217, %reduce_sum3A_218 [2] : vector<16x200x128xf32> to vector<16x200xf32>
    %reduce_max3A_220 = arith.constant dense<0xFF800000> : vector<16xf32>
    %reduce_max3A_221 = vector.multi_reduction <maximumf>, %reduce_sum3A_219, %reduce_max3A_220 [1] : vector<16x200xf32> to vector<16xf32>
    %broadcast_in_dim3A_222 = vector.shape_cast %reduce_max3A_221 : vector<16xf32> to vector<16x1xf32>
    %sub3A_223 = vector.broadcast %broadcast_in_dim3A_222 : vector<16x1xf32> to vector<16x200xf32>
    %sub3A_224 = arith.subf %reduce_sum3A_219, %sub3A_223 : vector<16x200xf32>
    %exp3A_225 = math.exp %sub3A_224 : vector<16x200xf32>
    %reduce_sum3A_226 = arith.constant dense<0.000000e+00> : vector<16xf32>
    %reduce_sum3A_227 = vector.multi_reduction <add>, %exp3A_225, %reduce_sum3A_226 [1] : vector<16x200xf32> to vector<16xf32>
    %broadcast_in_dim3A_228 = vector.shape_cast %reduce_sum3A_227 : vector<16xf32> to vector<16x1xf32>
    %div3A_229 = vector.broadcast %broadcast_in_dim3A_228 : vector<16x1xf32> to vector<16x200xf32>
    %div3A_230 = arith.divf %exp3A_225, %div3A_229 : vector<16x200xf32>
    %broadcast_in_dim3A_231 = vector.shape_cast %div3A_230 : vector<16x200xf32> to vector<16x200x1xf32>
    %get3A_232 = arith.constant 2 : index
    %get3A_233 = arith.constant 0 : index
    %get3A_234 = arith.constant 0 : index
    %get3A_235 = vector.load %arg5[%get3A_232, %get3A_233, %get3A_234] : memref<10x384x128xbf16, #tpu.memory_space<vmem>>, vector<1x384x128xbf16>
    %get3A_236 = vector.shape_cast %get3A_235 : vector<1x384x128xbf16> to vector<384x128xbf16>
    %dot_general3A_237 = arith.constant dense<0.000000e+00> : vector<3200x128xf32>
    %dot_general3A_238 = tpu.matmul %concatenate3A, %get3A_236, %dot_general3A_237 {dimension_numbers = #tpu.dot_dimension_numbers<[1], [0], [0], [1], [0, 0, 1, 1], [], []>, transpose_lhs_hint = false} : vector<3200x384xbf16>, vector<384x128xbf16>, vector<3200x128xf32> -> vector<3200x128xf32>
    %tanh3A_239 = math.tanh %dot_general3A_238 : vector<3200x128xf32>
    %reshape3A_240 = vector.shape_cast %tanh3A_239 : vector<3200x128xf32> to vector<16x200x128xf32>
    %get3A_241 = arith.constant 1 : index
    %get3A_242 = arith.constant 0 : index
    %get3A_243 = vector.load %arg6[%get3A_241, %get3A_242] : memref<8x128xf32, #tpu.memory_space<vmem>>, vector<1x128xf32>
    %get3A_244 = vector.shape_cast %get3A_243 : vector<1x128xf32> to vector<128xf32>
    %broadcast_in_dim3A_245 = vector.shape_cast %get3A_244 : vector<128xf32> to vector<1x1x128xf32>
    %mul3A_246 = vector.broadcast %broadcast_in_dim3A_245 : vector<1x1x128xf32> to vector<16x200x128xf32>
    %mul3A_247 = arith.mulf %reshape3A_240, %mul3A_246 : vector<16x200x128xf32>
    %reduce_sum3A_248 = arith.constant dense<0.000000e+00> : vector<16x200xf32>
    %reduce_sum3A_249 = vector.multi_reduction <add>, %mul3A_247, %reduce_sum3A_248 [2] : vector<16x200x128xf32> to vector<16x200xf32>
    %reduce_max3A_250 = arith.constant dense<0xFF800000> : vector<16xf32>
    %reduce_max3A_251 = vector.multi_reduction <maximumf>, %reduce_sum3A_249, %reduce_max3A_250 [1] : vector<16x200xf32> to vector<16xf32>
    %broadcast_in_dim3A_252 = vector.shape_cast %reduce_max3A_251 : vector<16xf32> to vector<16x1xf32>
    %sub3A_253 = vector.broadcast %broadcast_in_dim3A_252 : vector<16x1xf32> to vector<16x200xf32>
    %sub3A_254 = arith.subf %reduce_sum3A_249, %sub3A_253 : vector<16x200xf32>
    %exp3A_255 = math.exp %sub3A_254 : vector<16x200xf32>
    %reduce_sum3A_256 = arith.constant dense<0.000000e+00> : vector<16xf32>
    %reduce_sum3A_257 = vector.multi_reduction <add>, %exp3A_255, %reduce_sum3A_256 [1] : vector<16x200xf32> to vector<16xf32>
    %broadcast_in_dim3A_258 = vector.shape_cast %reduce_sum3A_257 : vector<16xf32> to vector<16x1xf32>
    %div3A_259 = vector.broadcast %broadcast_in_dim3A_258 : vector<16x1xf32> to vector<16x200xf32>
    %div3A_260 = arith.divf %exp3A_255, %div3A_259 : vector<16x200xf32>
    %broadcast_in_dim3A_261 = vector.shape_cast %div3A_260 : vector<16x200xf32> to vector<16x200x1xf32>
    %get3A_262 = arith.constant 3 : index
    %get3A_263 = arith.constant 0 : index
    %get3A_264 = arith.constant 0 : index
    %get3A_265 = vector.load %arg5[%get3A_262, %get3A_263, %get3A_264] : memref<10x384x128xbf16, #tpu.memory_space<vmem>>, vector<1x384x128xbf16>
    %get3A_266 = vector.shape_cast %get3A_265 : vector<1x384x128xbf16> to vector<384x128xbf16>
    %dot_general3A_267 = arith.constant dense<0.000000e+00> : vector<3200x128xf32>
    %dot_general3A_268 = tpu.matmul %concatenate3A, %get3A_266, %dot_general3A_267 {dimension_numbers = #tpu.dot_dimension_numbers<[1], [0], [0], [1], [0, 0, 1, 1], [], []>, transpose_lhs_hint = false} : vector<3200x384xbf16>, vector<384x128xbf16>, vector<3200x128xf32> -> vector<3200x128xf32>
    %tanh3A_269 = math.tanh %dot_general3A_268 : vector<3200x128xf32>
    %reshape3A_270 = vector.shape_cast %tanh3A_269 : vector<3200x128xf32> to vector<16x200x128xf32>
    %get3A_271 = arith.constant 2 : index
    %get3A_272 = arith.constant 0 : index
    %get3A_273 = vector.load %arg6[%get3A_271, %get3A_272] : memref<8x128xf32, #tpu.memory_space<vmem>>, vector<1x128xf32>
    %get3A_274 = vector.shape_cast %get3A_273 : vector<1x128xf32> to vector<128xf32>
    %broadcast_in_dim3A_275 = vector.shape_cast %get3A_274 : vector<128xf32> to vector<1x1x128xf32>
    %mul3A_276 = vector.broadcast %broadcast_in_dim3A_275 : vector<1x1x128xf32> to vector<16x200x128xf32>
    %mul3A_277 = arith.mulf %reshape3A_270, %mul3A_276 : vector<16x200x128xf32>
    %reduce_sum3A_278 = arith.constant dense<0.000000e+00> : vector<16x200xf32>
    %reduce_sum3A_279 = vector.multi_reduction <add>, %mul3A_277, %reduce_sum3A_278 [2] : vector<16x200x128xf32> to vector<16x200xf32>
    %reduce_max3A_280 = arith.constant dense<0xFF800000> : vector<16xf32>
    %reduce_max3A_281 = vector.multi_reduction <maximumf>, %reduce_sum3A_279, %reduce_max3A_280 [1] : vector<16x200xf32> to vector<16xf32>
    %broadcast_in_dim3A_282 = vector.shape_cast %reduce_max3A_281 : vector<16xf32> to vector<16x1xf32>
    %sub3A_283 = vector.broadcast %broadcast_in_dim3A_282 : vector<16x1xf32> to vector<16x200xf32>
    %sub3A_284 = arith.subf %reduce_sum3A_279, %sub3A_283 : vector<16x200xf32>
    %exp3A_285 = math.exp %sub3A_284 : vector<16x200xf32>
    %reduce_sum3A_286 = arith.constant dense<0.000000e+00> : vector<16xf32>
    %reduce_sum3A_287 = vector.multi_reduction <add>, %exp3A_285, %reduce_sum3A_286 [1] : vector<16x200xf32> to vector<16xf32>
    %broadcast_in_dim3A_288 = vector.shape_cast %reduce_sum3A_287 : vector<16xf32> to vector<16x1xf32>
    %div3A_289 = vector.broadcast %broadcast_in_dim3A_288 : vector<16x1xf32> to vector<16x200xf32>
    %div3A_290 = arith.divf %exp3A_285, %div3A_289 : vector<16x200xf32>
    %broadcast_in_dim3A_291 = vector.shape_cast %div3A_290 : vector<16x200xf32> to vector<16x200x1xf32>
    %get3A_292 = arith.constant 4 : index
    %get3A_293 = arith.constant 0 : index
    %get3A_294 = arith.constant 0 : index
    %get3A_295 = vector.load %arg5[%get3A_292, %get3A_293, %get3A_294] : memref<10x384x128xbf16, #tpu.memory_space<vmem>>, vector<1x384x128xbf16>
    %get3A_296 = vector.shape_cast %get3A_295 : vector<1x384x128xbf16> to vector<384x128xbf16>
    %dot_general3A_297 = arith.constant dense<0.000000e+00> : vector<3200x128xf32>
    %dot_general3A_298 = tpu.matmul %concatenate3A, %get3A_296, %dot_general3A_297 {dimension_numbers = #tpu.dot_dimension_numbers<[1], [0], [0], [1], [0, 0, 1, 1], [], []>, transpose_lhs_hint = false} : vector<3200x384xbf16>, vector<384x128xbf16>, vector<3200x128xf32> -> vector<3200x128xf32>
    %tanh3A_299 = math.tanh %dot_general3A_298 : vector<3200x128xf32>
    %reshape3A_300 = vector.shape_cast %tanh3A_299 : vector<3200x128xf32> to vector<16x200x128xf32>
    %get3A_301 = arith.constant 3 : index
    %get3A_302 = arith.constant 0 : index
    %get3A_303 = vector.load %arg6[%get3A_301, %get3A_302] : memref<8x128xf32, #tpu.memory_space<vmem>>, vector<1x128xf32>
    %get3A_304 = vector.shape_cast %get3A_303 : vector<1x128xf32> to vector<128xf32>
    %broadcast_in_dim3A_305 = vector.shape_cast %get3A_304 : vector<128xf32> to vector<1x1x128xf32>
    %mul3A_306 = vector.broadcast %broadcast_in_dim3A_305 : vector<1x1x128xf32> to vector<16x200x128xf32>
    %mul3A_307 = arith.mulf %reshape3A_300, %mul3A_306 : vector<16x200x128xf32>
    %reduce_sum3A_308 = arith.constant dense<0.000000e+00> : vector<16x200xf32>
    %reduce_sum3A_309 = vector.multi_reduction <add>, %mul3A_307, %reduce_sum3A_308 [2] : vector<16x200x128xf32> to vector<16x200xf32>
    %reduce_max3A_310 = arith.constant dense<0xFF800000> : vector<16xf32>
    %reduce_max3A_311 = vector.multi_reduction <maximumf>, %reduce_sum3A_309, %reduce_max3A_310 [1] : vector<16x200xf32> to vector<16xf32>
    %broadcast_in_dim3A_312 = vector.shape_cast %reduce_max3A_311 : vector<16xf32> to vector<16x1xf32>
    %sub3A_313 = vector.broadcast %broadcast_in_dim3A_312 : vector<16x1xf32> to vector<16x200xf32>
    %sub3A_314 = arith.subf %reduce_sum3A_309, %sub3A_313 : vector<16x200xf32>
    %exp3A_315 = math.exp %sub3A_314 : vector<16x200xf32>
    %reduce_sum3A_316 = arith.constant dense<0.000000e+00> : vector<16xf32>
    %reduce_sum3A_317 = vector.multi_reduction <add>, %exp3A_315, %reduce_sum3A_316 [1] : vector<16x200xf32> to vector<16xf32>
    %broadcast_in_dim3A_318 = vector.shape_cast %reduce_sum3A_317 : vector<16xf32> to vector<16x1xf32>
    %div3A_319 = vector.broadcast %broadcast_in_dim3A_318 : vector<16x1xf32> to vector<16x200xf32>
    %div3A_320 = arith.divf %exp3A_315, %div3A_319 : vector<16x200xf32>
    %broadcast_in_dim3A_321 = vector.shape_cast %div3A_320 : vector<16x200xf32> to vector<16x200x1xf32>
    %get3A_322 = arith.constant 5 : index
    %get3A_323 = arith.constant 0 : index
    %get3A_324 = arith.constant 0 : index
    %get3A_325 = vector.load %arg5[%get3A_322, %get3A_323, %get3A_324] : memref<10x384x128xbf16, #tpu.memory_space<vmem>>, vector<1x384x128xbf16>
    %get3A_326 = vector.shape_cast %get3A_325 : vector<1x384x128xbf16> to vector<384x128xbf16>
    %dot_general3A_327 = arith.constant dense<0.000000e+00> : vector<3200x128xf32>
    %dot_general3A_328 = tpu.matmul %concatenate3A, %get3A_326, %dot_general3A_327 {dimension_numbers = #tpu.dot_dimension_numbers<[1], [0], [0], [1], [0, 0, 1, 1], [], []>, transpose_lhs_hint = false} : vector<3200x384xbf16>, vector<384x128xbf16>, vector<3200x128xf32> -> vector<3200x128xf32>
    %tanh3A_329 = math.tanh %dot_general3A_328 : vector<3200x128xf32>
    %reshape3A_330 = vector.shape_cast %tanh3A_329 : vector<3200x128xf32> to vector<16x200x128xf32>
    %get3A_331 = arith.constant 4 : index
    %get3A_332 = arith.constant 0 : index
    %get3A_333 = vector.load %arg6[%get3A_331, %get3A_332] : memref<8x128xf32, #tpu.memory_space<vmem>>, vector<1x128xf32>
    %get3A_334 = vector.shape_cast %get3A_333 : vector<1x128xf32> to vector<128xf32>
    %broadcast_in_dim3A_335 = vector.shape_cast %get3A_334 : vector<128xf32> to vector<1x1x128xf32>
    %mul3A_336 = vector.broadcast %broadcast_in_dim3A_335 : vector<1x1x128xf32> to vector<16x200x128xf32>
    %mul3A_337 = arith.mulf %reshape3A_330, %mul3A_336 : vector<16x200x128xf32>
    %reduce_sum3A_338 = arith.constant dense<0.000000e+00> : vector<16x200xf32>
    %reduce_sum3A_339 = vector.multi_reduction <add>, %mul3A_337, %reduce_sum3A_338 [2] : vector<16x200x128xf32> to vector<16x200xf32>
    %reduce_max3A_340 = arith.constant dense<0xFF800000> : vector<16xf32>
    %reduce_max3A_341 = vector.multi_reduction <maximumf>, %reduce_sum3A_339, %reduce_max3A_340 [1] : vector<16x200xf32> to vector<16xf32>
    %broadcast_in_dim3A_342 = vector.shape_cast %reduce_max3A_341 : vector<16xf32> to vector<16x1xf32>
    %sub3A_343 = vector.broadcast %broadcast_in_dim3A_342 : vector<16x1xf32> to vector<16x200xf32>
    %sub3A_344 = arith.subf %reduce_sum3A_339, %sub3A_343 : vector<16x200xf32>
    %exp3A_345 = math.exp %sub3A_344 : vector<16x200xf32>
    %reduce_sum3A_346 = arith.constant dense<0.000000e+00> : vector<16xf32>
    %reduce_sum3A_347 = vector.multi_reduction <add>, %exp3A_345, %reduce_sum3A_346 [1] : vector<16x200xf32> to vector<16xf32>
    %broadcast_in_dim3A_348 = vector.shape_cast %reduce_sum3A_347 : vector<16xf32> to vector<16x1xf32>
    %div3A_349 = vector.broadcast %broadcast_in_dim3A_348 : vector<16x1xf32> to vector<16x200xf32>
    %div3A_350 = arith.divf %exp3A_345, %div3A_349 : vector<16x200xf32>
    %broadcast_in_dim3A_351 = vector.shape_cast %div3A_350 : vector<16x200xf32> to vector<16x200x1xf32>
    %get3A_352 = arith.constant 6 : index
    %get3A_353 = arith.constant 0 : index
    %get3A_354 = arith.constant 0 : index
    %get3A_355 = vector.load %arg5[%get3A_352, %get3A_353, %get3A_354] : memref<10x384x128xbf16, #tpu.memory_space<vmem>>, vector<1x384x128xbf16>
    %get3A_356 = vector.shape_cast %get3A_355 : vector<1x384x128xbf16> to vector<384x128xbf16>
    %dot_general3A_357 = arith.constant dense<0.000000e+00> : vector<3200x128xf32>
    %dot_general3A_358 = tpu.matmul %concatenate3A, %get3A_356, %dot_general3A_357 {dimension_numbers = #tpu.dot_dimension_numbers<[1], [0], [0], [1], [0, 0, 1, 1], [], []>, transpose_lhs_hint = false} : vector<3200x384xbf16>, vector<384x128xbf16>, vector<3200x128xf32> -> vector<3200x128xf32>
    %tanh3A_359 = math.tanh %dot_general3A_358 : vector<3200x128xf32>
    %reshape3A_360 = vector.shape_cast %tanh3A_359 : vector<3200x128xf32> to vector<16x200x128xf32>
    %get3A_361 = arith.constant 5 : index
    %get3A_362 = arith.constant 0 : index
    %get3A_363 = vector.load %arg6[%get3A_361, %get3A_362] : memref<8x128xf32, #tpu.memory_space<vmem>>, vector<1x128xf32>
    %get3A_364 = vector.shape_cast %get3A_363 : vector<1x128xf32> to vector<128xf32>
    %broadcast_in_dim3A_365 = vector.shape_cast %get3A_364 : vector<128xf32> to vector<1x1x128xf32>
    %mul3A_366 = vector.broadcast %broadcast_in_dim3A_365 : vector<1x1x128xf32> to vector<16x200x128xf32>
    %mul3A_367 = arith.mulf %reshape3A_360, %mul3A_366 : vector<16x200x128xf32>
    %reduce_sum3A_368 = arith.constant dense<0.000000e+00> : vector<16x200xf32>
    %reduce_sum3A_369 = vector.multi_reduction <add>, %mul3A_367, %reduce_sum3A_368 [2] : vector<16x200x128xf32> to vector<16x200xf32>
    %reduce_max3A_370 = arith.constant dense<0xFF800000> : vector<16xf32>
    %reduce_max3A_371 = vector.multi_reduction <maximumf>, %reduce_sum3A_369, %reduce_max3A_370 [1] : vector<16x200xf32> to vector<16xf32>
    %broadcast_in_dim3A_372 = vector.shape_cast %reduce_max3A_371 : vector<16xf32> to vector<16x1xf32>
    %sub3A_373 = vector.broadcast %broadcast_in_dim3A_372 : vector<16x1xf32> to vector<16x200xf32>
    %sub3A_374 = arith.subf %reduce_sum3A_369, %sub3A_373 : vector<16x200xf32>
    %exp3A_375 = math.exp %sub3A_374 : vector<16x200xf32>
    %reduce_sum3A_376 = arith.constant dense<0.000000e+00> : vector<16xf32>
    %reduce_sum3A_377 = vector.multi_reduction <add>, %exp3A_375, %reduce_sum3A_376 [1] : vector<16x200xf32> to vector<16xf32>
    %broadcast_in_dim3A_378 = vector.shape_cast %reduce_sum3A_377 : vector<16xf32> to vector<16x1xf32>
    %div3A_379 = vector.broadcast %broadcast_in_dim3A_378 : vector<16x1xf32> to vector<16x200xf32>
    %div3A_380 = arith.divf %exp3A_375, %div3A_379 : vector<16x200xf32>
    %broadcast_in_dim3A_381 = vector.shape_cast %div3A_380 : vector<16x200xf32> to vector<16x200x1xf32>
    %get3A_382 = arith.constant 7 : index
    %get3A_383 = arith.constant 0 : index
    %get3A_384 = arith.constant 0 : index
    %get3A_385 = vector.load %arg5[%get3A_382, %get3A_383, %get3A_384] : memref<10x384x128xbf16, #tpu.memory_space<vmem>>, vector<1x384x128xbf16>
    %get3A_386 = vector.shape_cast %get3A_385 : vector<1x384x128xbf16> to vector<384x128xbf16>
    %dot_general3A_387 = arith.constant dense<0.000000e+00> : vector<3200x128xf32>
    %dot_general3A_388 = tpu.matmul %concatenate3A, %get3A_386, %dot_general3A_387 {dimension_numbers = #tpu.dot_dimension_numbers<[1], [0], [0], [1], [0, 0, 1, 1], [], []>, transpose_lhs_hint = false} : vector<3200x384xbf16>, vector<384x128xbf16>, vector<3200x128xf32> -> vector<3200x128xf32>
    %tanh3A_389 = math.tanh %dot_general3A_388 : vector<3200x128xf32>
    %reshape3A_390 = vector.shape_cast %tanh3A_389 : vector<3200x128xf32> to vector<16x200x128xf32>
    %get3A_391 = arith.constant 6 : index
    %get3A_392 = arith.constant 0 : index
    %get3A_393 = vector.load %arg6[%get3A_391, %get3A_392] : memref<8x128xf32, #tpu.memory_space<vmem>>, vector<1x128xf32>
    %get3A_394 = vector.shape_cast %get3A_393 : vector<1x128xf32> to vector<128xf32>
    %broadcast_in_dim3A_395 = vector.shape_cast %get3A_394 : vector<128xf32> to vector<1x1x128xf32>
    %mul3A_396 = vector.broadcast %broadcast_in_dim3A_395 : vector<1x1x128xf32> to vector<16x200x128xf32>
    %mul3A_397 = arith.mulf %reshape3A_390, %mul3A_396 : vector<16x200x128xf32>
    %reduce_sum3A_398 = arith.constant dense<0.000000e+00> : vector<16x200xf32>
    %reduce_sum3A_399 = vector.multi_reduction <add>, %mul3A_397, %reduce_sum3A_398 [2] : vector<16x200x128xf32> to vector<16x200xf32>
    %reduce_max3A_400 = arith.constant dense<0xFF800000> : vector<16xf32>
    %reduce_max3A_401 = vector.multi_reduction <maximumf>, %reduce_sum3A_399, %reduce_max3A_400 [1] : vector<16x200xf32> to vector<16xf32>
    %broadcast_in_dim3A_402 = vector.shape_cast %reduce_max3A_401 : vector<16xf32> to vector<16x1xf32>
    %sub3A_403 = vector.broadcast %broadcast_in_dim3A_402 : vector<16x1xf32> to vector<16x200xf32>
    %sub3A_404 = arith.subf %reduce_sum3A_399, %sub3A_403 : vector<16x200xf32>
    %exp3A_405 = math.exp %sub3A_404 : vector<16x200xf32>
    %reduce_sum3A_406 = arith.constant dense<0.000000e+00> : vector<16xf32>
    %reduce_sum3A_407 = vector.multi_reduction <add>, %exp3A_405, %reduce_sum3A_406 [1] : vector<16x200xf32> to vector<16xf32>
    %broadcast_in_dim3A_408 = vector.shape_cast %reduce_sum3A_407 : vector<16xf32> to vector<16x1xf32>
    %div3A_409 = vector.broadcast %broadcast_in_dim3A_408 : vector<16x1xf32> to vector<16x200xf32>
    %div3A_410 = arith.divf %exp3A_405, %div3A_409 : vector<16x200xf32>
    %broadcast_in_dim3A_411 = vector.shape_cast %div3A_410 : vector<16x200xf32> to vector<16x200x1xf32>
    %get3A_412 = arith.constant 8 : index
    %get3A_413 = arith.constant 0 : index
    %get3A_414 = arith.constant 0 : index
    %get3A_415 = vector.load %arg5[%get3A_412, %get3A_413, %get3A_414] : memref<10x384x128xbf16, #tpu.memory_space<vmem>>, vector<1x384x128xbf16>
    %get3A_416 = vector.shape_cast %get3A_415 : vector<1x384x128xbf16> to vector<384x128xbf16>
    %dot_general3A_417 = arith.constant dense<0.000000e+00> : vector<3200x128xf32>
    %dot_general3A_418 = tpu.matmul %concatenate3A, %get3A_416, %dot_general3A_417 {dimension_numbers = #tpu.dot_dimension_numbers<[1], [0], [0], [1], [0, 0, 1, 1], [], []>, transpose_lhs_hint = false} : vector<3200x384xbf16>, vector<384x128xbf16>, vector<3200x128xf32> -> vector<3200x128xf32>
    %tanh3A_419 = math.tanh %dot_general3A_418 : vector<3200x128xf32>
    %reshape3A_420 = vector.shape_cast %tanh3A_419 : vector<3200x128xf32> to vector<16x200x128xf32>
    %get3A_421 = arith.constant 7 : index
    %get3A_422 = arith.constant 0 : index
    %get3A_423 = vector.load %arg6[%get3A_421, %get3A_422] : memref<8x128xf32, #tpu.memory_space<vmem>>, vector<1x128xf32>
    %get3A_424 = vector.shape_cast %get3A_423 : vector<1x128xf32> to vector<128xf32>
    %broadcast_in_dim3A_425 = vector.shape_cast %get3A_424 : vector<128xf32> to vector<1x1x128xf32>
    %mul3A_426 = vector.broadcast %broadcast_in_dim3A_425 : vector<1x1x128xf32> to vector<16x200x128xf32>
    %mul3A_427 = arith.mulf %reshape3A_420, %mul3A_426 : vector<16x200x128xf32>
    %reduce_sum3A_428 = arith.constant dense<0.000000e+00> : vector<16x200xf32>
    %reduce_sum3A_429 = vector.multi_reduction <add>, %mul3A_427, %reduce_sum3A_428 [2] : vector<16x200x128xf32> to vector<16x200xf32>
    %reduce_max3A_430 = arith.constant dense<0xFF800000> : vector<16xf32>
    %reduce_max3A_431 = vector.multi_reduction <maximumf>, %reduce_sum3A_429, %reduce_max3A_430 [1] : vector<16x200xf32> to vector<16xf32>
    %broadcast_in_dim3A_432 = vector.shape_cast %reduce_max3A_431 : vector<16xf32> to vector<16x1xf32>
    %sub3A_433 = vector.broadcast %broadcast_in_dim3A_432 : vector<16x1xf32> to vector<16x200xf32>
    %sub3A_434 = arith.subf %reduce_sum3A_429, %sub3A_433 : vector<16x200xf32>
    %exp3A_435 = math.exp %sub3A_434 : vector<16x200xf32>
    %reduce_sum3A_436 = arith.constant dense<0.000000e+00> : vector<16xf32>
    %reduce_sum3A_437 = vector.multi_reduction <add>, %exp3A_435, %reduce_sum3A_436 [1] : vector<16x200xf32> to vector<16xf32>
    %broadcast_in_dim3A_438 = vector.shape_cast %reduce_sum3A_437 : vector<16xf32> to vector<16x1xf32>
    %div3A_439 = vector.broadcast %broadcast_in_dim3A_438 : vector<16x1xf32> to vector<16x200xf32>
    %div3A_440 = arith.divf %exp3A_435, %div3A_439 : vector<16x200xf32>
    %broadcast_in_dim3A_441 = vector.shape_cast %div3A_440 : vector<16x200xf32> to vector<16x200x1xf32>
    %concatenate3A_442 = tpu.concatenate %broadcast_in_dim3A_231, %broadcast_in_dim3A_261, %broadcast_in_dim3A_291, %broadcast_in_dim3A_321, %broadcast_in_dim3A_351, %broadcast_in_dim3A_381, %broadcast_in_dim3A_411, %broadcast_in_dim3A_441 in 2 : vector<16x200x1xf32>, vector<16x200x1xf32>, vector<16x200x1xf32>, vector<16x200x1xf32>, vector<16x200x1xf32>, vector<16x200x1xf32>, vector<16x200x1xf32>, vector<16x200x1xf32> -> vector<16x200x8xf32>
    %mul3A_443 = arith.mulf %div3A_202, %concatenate3A_442 : vector<16x200x8xf32>
    %dot_general3A_444 = arith.constant dense<0.000000e+00> : vector<16x8x128xf32>
    %dot_general3A_445 = tpu.matmul %mul3A_443, %add3A_6, %dot_general3A_444 {dimension_numbers = #tpu.dot_dimension_numbers<[1], [1], [2], [2], [0, 0, 0, 2, 1, 2], [0], [0]>, precision = #tpu.contract_precision<fp32>, transpose_lhs_hint = false} : vector<16x200x8xf32>, vector<16x200x128xf32>, vector<16x8x128xf32> -> vector<16x8x128xf32>
    %get3A_446 = arith.constant 0 : index
    %get3A_447 = arith.constant 0 : index
    %get3A_448 = vector.load %arg13[%get3A_446, %get3A_447] : memref<1x128xf32, #tpu.memory_space<vmem>>, vector<1x128xf32>
    %get3A_449 = arith.constant 0 : index
    %get3A_450 = arith.constant 0 : index
    %get3A_451 = vector.load %arg14[%get3A_449, %get3A_450] : memref<1x128xf32, #tpu.memory_space<vmem>>, vector<1x128xf32>
    %reduce_sum3A_452 = arith.constant dense<0.000000e+00> : vector<16x8xf32>
    %reduce_sum3A_453 = vector.multi_reduction <add>, %dot_general3A_445, %reduce_sum3A_452 [2] : vector<16x8x128xf32> to vector<16x8xf32>
    %broadcast_in_dim3A_454 = vector.shape_cast %reduce_sum3A_453 : vector<16x8xf32> to vector<16x8x1xf32>
    %div3A_455 = arith.constant 1.280000e+02 : f32
    %div3A_456 = vector.broadcast %div3A_455 : f32 to vector<16x8x1xf32>
    %div3A_457 = arith.divf %broadcast_in_dim3A_454, %div3A_456 : vector<16x8x1xf32>
    %sub3A_458 = vector.broadcast %div3A_457 : vector<16x8x1xf32> to vector<16x8x128xf32>
    %sub3A_459 = arith.subf %dot_general3A_445, %sub3A_458 : vector<16x8x128xf32>
    %integer_pow3A_460 = arith.mulf %sub3A_459, %sub3A_459 : vector<16x8x128xf32>
    %reduce_sum3A_461 = arith.constant dense<0.000000e+00> : vector<16x8xf32>
    %reduce_sum3A_462 = vector.multi_reduction <add>, %integer_pow3A_460, %reduce_sum3A_461 [2] : vector<16x8x128xf32> to vector<16x8xf32>
    %broadcast_in_dim3A_463 = vector.shape_cast %reduce_sum3A_462 : vector<16x8xf32> to vector<16x8x1xf32>
    %div3A_464 = arith.constant 1.280000e+02 : f32
    %div3A_465 = vector.broadcast %div3A_464 : f32 to vector<16x8x1xf32>
    %div3A_466 = arith.divf %broadcast_in_dim3A_463, %div3A_465 : vector<16x8x1xf32>
    %sub3A_467 = vector.broadcast %div3A_457 : vector<16x8x1xf32> to vector<16x8x128xf32>
    %sub3A_468 = arith.subf %dot_general3A_445, %sub3A_467 : vector<16x8x128xf32>
    %add3A_469 = arith.constant 1.000000e-03 : f32
    %add3A_470 = vector.broadcast %add3A_469 : f32 to vector<16x8x1xf32>
    %add3A_471 = arith.addf %div3A_466, %add3A_470 : vector<16x8x1xf32>
    %sqrt3A_472 = math.sqrt %add3A_471 : vector<16x8x1xf32>
    %div3A_473 = vector.broadcast %sqrt3A_472 : vector<16x8x1xf32> to vector<16x8x128xf32>
    %div3A_474 = arith.divf %sub3A_468, %div3A_473 : vector<16x8x128xf32>
    %broadcast_in_dim3A_475 = vector.shape_cast %get3A_448 : vector<1x128xf32> to vector<1x1x128xf32>
    %mul3A_476 = vector.broadcast %broadcast_in_dim3A_475 : vector<1x1x128xf32> to vector<16x8x128xf32>
    %mul3A_477 = arith.mulf %div3A_474, %mul3A_476 : vector<16x8x128xf32>
    %broadcast_in_dim3A_478 = vector.shape_cast %get3A_451 : vector<1x128xf32> to vector<1x1x128xf32>
    %add3A_479 = vector.broadcast %broadcast_in_dim3A_478 : vector<1x1x128xf32> to vector<16x8x128xf32>
    %add3A_480 = arith.addf %mul3A_477, %add3A_479 : vector<16x8x128xf32>
    %dot_general3A_481 = arith.constant dense<0.000000e+00> : vector<16x200x128xf32>
    %dot_general3A_482 = tpu.matmul %div3A_202, %concatenate3A_155, %dot_general3A_481 {dimension_numbers = #tpu.dot_dimension_numbers<[2], [1], [1], [2], [0, 0, 0, 1, 1, 2], [0], [0]>, precision = #tpu.contract_precision<fp32>, transpose_lhs_hint = false} : vector<16x200x8xf32>, vector<16x8x128xf32>, vector<16x200x128xf32> -> vector<16x200x128xf32>
    %reshape3A_483 = vector.shape_cast %dot_general3A_482 : vector<16x200x128xf32> to vector<3200x128xf32>
    %convert_element_type3A_484 = arith.truncf %reshape3A_483 : vector<3200x128xf32> to vector<3200x128xbf16>
    %convert_element_type3A_485 = arith.extf %convert_element_type3A_484 : vector<3200x128xbf16> to vector<3200x128xf32>
    %sub3A_486 = arith.subf %reshape3A_483, %convert_element_type3A_485 : vector<3200x128xf32>
    %convert_element_type3A_487 = arith.truncf %sub3A_486 : vector<3200x128xf32> to vector<3200x128xbf16>
    %concatenate3A_488 = tpu.concatenate %convert_element_type3A_484, %convert_element_type3A_487, %convert_element_type3A_484 in 1 : vector<3200x128xbf16>, vector<3200x128xbf16>, vector<3200x128xbf16> -> vector<3200x384xbf16>
    %get3A_489 = arith.constant 9 : index
    %get3A_490 = arith.constant 0 : index
    %get3A_491 = arith.constant 0 : index
    %get3A_492 = vector.load %arg5[%get3A_489, %get3A_490, %get3A_491] : memref<10x384x128xbf16, #tpu.memory_space<vmem>>, vector<1x384x128xbf16>
    %get3A_493 = vector.shape_cast %get3A_492 : vector<1x384x128xbf16> to vector<384x128xbf16>
    %dot_general3A_494 = arith.constant dense<0.000000e+00> : vector<3200x128xf32>
    %dot_general3A_495 = tpu.matmul %concatenate3A_488, %get3A_493, %dot_general3A_494 {dimension_numbers = #tpu.dot_dimension_numbers<[1], [0], [0], [1], [0, 0, 1, 1], [], []>, transpose_lhs_hint = false} : vector<3200x384xbf16>, vector<384x128xbf16>, vector<3200x128xf32> -> vector<3200x128xf32>
    %tanh3A_496 = math.tanh %dot_general3A_495 : vector<3200x128xf32>
    %reshape3A_497 = vector.shape_cast %tanh3A_496 : vector<3200x128xf32> to vector<16x200x128xf32>
    %get3A_498 = arith.constant 0 : index
    %get3A_499 = arith.constant 0 : index
    %get3A_500 = vector.load %arg7[%get3A_498, %get3A_499] : memref<1x128xf32, #tpu.memory_space<vmem>>, vector<1x128xf32>
    %broadcast_in_dim3A_501 = vector.shape_cast %get3A_500 : vector<1x128xf32> to vector<1x1x128xf32>
    %mul3A_502 = vector.broadcast %broadcast_in_dim3A_501 : vector<1x1x128xf32> to vector<16x200x128xf32>
    %mul3A_503 = arith.mulf %reshape3A_497, %mul3A_502 : vector<16x200x128xf32>
    %reduce_sum3A_504 = arith.constant dense<0.000000e+00> : vector<16x200xf32>
    %reduce_sum3A_505 = vector.multi_reduction <add>, %mul3A_503, %reduce_sum3A_504 [2] : vector<16x200x128xf32> to vector<16x200xf32>
    %reduce_max3A_506 = arith.constant dense<0xFF800000> : vector<16xf32>
    %reduce_max3A_507 = vector.multi_reduction <maximumf>, %reduce_sum3A_505, %reduce_max3A_506 [1] : vector<16x200xf32> to vector<16xf32>
    %broadcast_in_dim3A_508 = vector.shape_cast %reduce_max3A_507 : vector<16xf32> to vector<16x1xf32>
    %sub3A_509 = vector.broadcast %broadcast_in_dim3A_508 : vector<16x1xf32> to vector<16x200xf32>
    %sub3A_510 = arith.subf %reduce_sum3A_505, %sub3A_509 : vector<16x200xf32>
    %exp3A_511 = math.exp %sub3A_510 : vector<16x200xf32>
    %reduce_sum3A_512 = arith.constant dense<0.000000e+00> : vector<16xf32>
    %reduce_sum3A_513 = vector.multi_reduction <add>, %exp3A_511, %reduce_sum3A_512 [1] : vector<16x200xf32> to vector<16xf32>
    %broadcast_in_dim3A_514 = vector.shape_cast %reduce_sum3A_513 : vector<16xf32> to vector<16x1xf32>
    %div3A_515 = vector.broadcast %broadcast_in_dim3A_514 : vector<16x1xf32> to vector<16x200xf32>
    %div3A_516 = arith.divf %exp3A_511, %div3A_515 : vector<16x200xf32>
    %broadcast_in_dim3A_517 = vector.shape_cast %div3A_516 : vector<16x200xf32> to vector<16x200x1xf32>
    %mul3A_518 = vector.broadcast %broadcast_in_dim3A_517 : vector<16x200x1xf32> to vector<16x200x128xf32>
    %mul3A_519 = arith.mulf %dot_general3A_482, %mul3A_518 : vector<16x200x128xf32>
    %reduce_sum3A_520 = arith.constant dense<0.000000e+00> : vector<16x128xf32>
    %reduce_sum3A_521 = vector.multi_reduction <add>, %mul3A_519, %reduce_sum3A_520 [1] : vector<16x200x128xf32> to vector<16x128xf32>
    %get3A_522 = arith.constant 0 : index
    %get3A_523 = arith.constant 0 : index
    %get3A_524 = vector.load %arg15[%get3A_522, %get3A_523] : memref<1x128xf32, #tpu.memory_space<vmem>>, vector<1x128xf32>
    %get3A_525 = arith.constant 0 : index
    %get3A_526 = arith.constant 0 : index
    %get3A_527 = vector.load %arg16[%get3A_525, %get3A_526] : memref<1x128xf32, #tpu.memory_space<vmem>>, vector<1x128xf32>
    %reduce_sum3A_528 = arith.constant dense<0.000000e+00> : vector<16xf32>
    %reduce_sum3A_529 = vector.multi_reduction <add>, %reduce_sum3A_521, %reduce_sum3A_528 [1] : vector<16x128xf32> to vector<16xf32>
    %broadcast_in_dim3A_530 = vector.shape_cast %reduce_sum3A_529 : vector<16xf32> to vector<16x1xf32>
    %div3A_531 = arith.constant 1.280000e+02 : f32
    %div3A_532 = vector.broadcast %div3A_531 : f32 to vector<16x1xf32>
    %div3A_533 = arith.divf %broadcast_in_dim3A_530, %div3A_532 : vector<16x1xf32>
    %sub3A_534 = vector.broadcast %div3A_533 : vector<16x1xf32> to vector<16x128xf32>
    %sub3A_535 = arith.subf %reduce_sum3A_521, %sub3A_534 : vector<16x128xf32>
    %integer_pow3A_536 = arith.mulf %sub3A_535, %sub3A_535 : vector<16x128xf32>
    %reduce_sum3A_537 = arith.constant dense<0.000000e+00> : vector<16xf32>
    %reduce_sum3A_538 = vector.multi_reduction <add>, %integer_pow3A_536, %reduce_sum3A_537 [1] : vector<16x128xf32> to vector<16xf32>
    %broadcast_in_dim3A_539 = vector.shape_cast %reduce_sum3A_538 : vector<16xf32> to vector<16x1xf32>
    %div3A_540 = arith.constant 1.280000e+02 : f32
    %div3A_541 = vector.broadcast %div3A_540 : f32 to vector<16x1xf32>
    %div3A_542 = arith.divf %broadcast_in_dim3A_539, %div3A_541 : vector<16x1xf32>
    %sub3A_543 = vector.broadcast %div3A_533 : vector<16x1xf32> to vector<16x128xf32>
    %sub3A_544 = arith.subf %reduce_sum3A_521, %sub3A_543 : vector<16x128xf32>
    %add3A_545 = arith.constant 1.000000e-03 : f32
    %add3A_546 = vector.broadcast %add3A_545 : f32 to vector<16x1xf32>
    %add3A_547 = arith.addf %div3A_542, %add3A_546 : vector<16x1xf32>
    %sqrt3A_548 = math.sqrt %add3A_547 : vector<16x1xf32>
    %div3A_549 = vector.broadcast %sqrt3A_548 : vector<16x1xf32> to vector<16x128xf32>
    %div3A_550 = arith.divf %sub3A_544, %div3A_549 : vector<16x128xf32>
    %mul3A_551 = vector.broadcast %get3A_524 : vector<1x128xf32> to vector<16x128xf32>
    %mul3A_552 = arith.mulf %div3A_550, %mul3A_551 : vector<16x128xf32>
    %add3A_553 = vector.broadcast %get3A_527 : vector<1x128xf32> to vector<16x128xf32>
    %add3A_554 = arith.addf %mul3A_552, %add3A_553 : vector<16x128xf32>
    %dot_general3A_555 = arith.constant dense<0.000000e+00> : vector<16x8xf32>
    %dot_general3A_556 = tpu.matmul %add3A_480, %add3A_554, %dot_general3A_555 {dimension_numbers = #tpu.dot_dimension_numbers<[2], [1], [1], [], [0, 0, 0, 1], [0], [0]>, precision = #tpu.contract_precision<fp32>, transpose_lhs_hint = false} : vector<16x8x128xf32>, vector<16x128xf32>, vector<16x8xf32> -> vector<16x8xf32>
    %mul3A_557 = arith.constant 1.000000e+01 : f32
    %mul3A_558 = vector.broadcast %mul3A_557 : f32 to vector<16x8xf32>
    %mul3A_559 = arith.mulf %dot_general3A_556, %mul3A_558 : vector<16x8xf32>
    %reduce_max3A_560 = arith.constant dense<0xFF800000> : vector<16xf32>
    %reduce_max3A_561 = vector.multi_reduction <maximumf>, %mul3A_559, %reduce_max3A_560 [1] : vector<16x8xf32> to vector<16xf32>
    %broadcast_in_dim3A_562 = vector.shape_cast %reduce_max3A_561 : vector<16xf32> to vector<16x1xf32>
    %sub3A_563 = vector.broadcast %broadcast_in_dim3A_562 : vector<16x1xf32> to vector<16x8xf32>
    %sub3A_564 = arith.subf %mul3A_559, %sub3A_563 : vector<16x8xf32>
    %exp3A_565 = math.exp %sub3A_564 : vector<16x8xf32>
    %reduce_sum3A_566 = arith.constant dense<0.000000e+00> : vector<16xf32>
    %reduce_sum3A_567 = vector.multi_reduction <add>, %exp3A_565, %reduce_sum3A_566 [1] : vector<16x8xf32> to vector<16xf32>
    %broadcast_in_dim3A_568 = vector.shape_cast %reduce_sum3A_567 : vector<16xf32> to vector<16x1xf32>
    %div3A_569 = vector.broadcast %broadcast_in_dim3A_568 : vector<16x1xf32> to vector<16x8xf32>
    %div3A_570 = arith.divf %exp3A_565, %div3A_569 : vector<16x8xf32>
    %dot_general3A_571 = arith.constant dense<0.000000e+00> : vector<16x128xf32>
    %dot_general3A_572 = tpu.matmul %div3A_570, %add3A_480, %dot_general3A_571 {dimension_numbers = #tpu.dot_dimension_numbers<[1], [1], [], [2], [0, 0, 1, 2], [0], [0]>, precision = #tpu.contract_precision<fp32>, transpose_lhs_hint = false} : vector<16x8xf32>, vector<16x8x128xf32>, vector<16x128xf32> -> vector<16x128xf32>
    %swap3A = arith.constant 0 : index
    %swap3A_573 = arith.constant 0 : index
    %swap3A_574 = vector.load %arg17[%swap3A, %swap3A_573] : memref<16x128xf32, #tpu.memory_space<vmem>>, vector<16x128xf32>
    tpu.vector_store %arg17[%swap3A, %swap3A_573], %dot_general3A_572 {strides = array<i32>} : memref<16x128xf32, #tpu.memory_space<vmem>>, vector<16x128xf32>,
    return
  }
  func.func @transform_0(%arg0: i32) -> (i32, i32, i32) {
    %c0_i32 = arith.constant 0 : i32
    %c0_i32_0 = arith.constant 0 : i32
    %c0_i32_1 = arith.constant 0 : i32
    return %arg0, %c0_i32, %c0_i32_0 : i32, i32, i32
  }
  func.func @transform_1(%arg0: i32) -> (i32, i32) {
    %c0_i32 = arith.constant 0 : i32
    %c0_i32_0 = arith.constant 0 : i32
    %c0_i32_1 = arith.constant 0 : i32
    return %c0_i32, %c0_i32_0 : i32, i32
  }
  func.func @transform_2(%arg0: i32) -> (i32, i32) {
    %c0_i32 = arith.constant 0 : i32
    %c0_i32_0 = arith.constant 0 : i32
    return %arg0, %c0_i32 : i32, i32
  }
  func.func @transform_3(%arg0: i32) -> (i32, i32) {
    %c0_i32 = arith.constant 0 : i32
    %c0_i32_0 = arith.constant 0 : i32
    return %arg0, %c0_i32 : i32, i32
  }
  func.func @transform_4(%arg0: i32) -> (i32, i32, i32) {
    %c0_i32 = arith.constant 0 : i32
    %c0_i32_0 = arith.constant 0 : i32
    %c0_i32_1 = arith.constant 0 : i32
    %c0_i32_2 = arith.constant 0 : i32
    return %c0_i32, %c0_i32_0, %c0_i32_1 : i32, i32, i32
  }
  func.func @transform_5(%arg0: i32) -> (i32, i32) {
    %c0_i32 = arith.constant 0 : i32
    %c0_i32_0 = arith.constant 0 : i32
    %c0_i32_1 = arith.constant 0 : i32
    return %c0_i32, %c0_i32_0 : i32, i32
  }
  func.func @transform_6(%arg0: i32) -> (i32, i32) {
    %c0_i32 = arith.constant 0 : i32
    %c0_i32_0 = arith.constant 0 : i32
    %c0_i32_1 = arith.constant 0 : i32
    return %c0_i32, %c0_i32_0 : i32, i32
  }
  func.func @transform_7(%arg0: i32) -> (i32, i32) {
    %c0_i32 = arith.constant 0 : i32
    %c0_i32_0 = arith.constant 0 : i32
    %c0_i32_1 = arith.constant 0 : i32
    return %c0_i32, %c0_i32_0 : i32, i32
  }
  func.func @transform_8(%arg0: i32) -> (i32, i32) {
    %c0_i32 = arith.constant 0 : i32
    %c0_i32_0 = arith.constant 0 : i32
    %c0_i32_1 = arith.constant 0 : i32
    return %c0_i32, %c0_i32_0 : i32, i32
  }
  func.func @transform_9(%arg0: i32) -> (i32, i32) {
    %c0_i32 = arith.constant 0 : i32
    %c0_i32_0 = arith.constant 0 : i32
    %c0_i32_1 = arith.constant 0 : i32
    return %c0_i32, %c0_i32_0 : i32, i32
  }
  func.func @transform_10(%arg0: i32) -> (i32, i32) {
    %c0_i32 = arith.constant 0 : i32
    %c0_i32_0 = arith.constant 0 : i32
    %c0_i32_1 = arith.constant 0 : i32
    return %c0_i32, %c0_i32_0 : i32, i32
  }
  func.func @transform_11(%arg0: i32) -> (i32, i32) {
    %c0_i32 = arith.constant 0 : i32
    %c0_i32_0 = arith.constant 0 : i32
    %c0_i32_1 = arith.constant 0 : i32
    return %c0_i32, %c0_i32_0 : i32, i32
  }
  func.func @transform_12(%arg0: i32) -> (i32, i32) {
    %c0_i32 = arith.constant 0 : i32
    %c0_i32_0 = arith.constant 0 : i32
    %c0_i32_1 = arith.constant 0 : i32
    return %c0_i32, %c0_i32_0 : i32, i32
  }
  func.func @transform_13(%arg0: i32) -> (i32, i32) {
    %c0_i32 = arith.constant 0 : i32
    %c0_i32_0 = arith.constant 0 : i32
    %c0_i32_1 = arith.constant 0 : i32
    return %c0_i32, %c0_i32_0 : i32, i32
  }
  func.func @transform_14(%arg0: i32) -> (i32, i32) {
    %c0_i32 = arith.constant 0 : i32
    %c0_i32_0 = arith.constant 0 : i32
    %c0_i32_1 = arith.constant 0 : i32
    return %c0_i32, %c0_i32_0 : i32, i32
  }
  func.func @transform_15(%arg0: i32) -> (i32, i32) {
    %c0_i32 = arith.constant 0 : i32
    %c0_i32_0 = arith.constant 0 : i32
    %c0_i32_1 = arith.constant 0 : i32
    return %c0_i32, %c0_i32_0 : i32, i32
  }
  func.func @transform_16(%arg0: i32) -> (i32, i32) {
    %c0_i32 = arith.constant 0 : i32
    %c0_i32_0 = arith.constant 0 : i32
    return %arg0, %c0_i32 : i32, i32
  }
}

</mosaic_0001>

<sc_bundles>
// kernel: kernel.4.cloned.1.call-start
scs
__scs_entry_jumppad:
0x0: {  	(pc) =	sbr.rel $0x88, $3  }
0x1: {  	(tag) =	ssettag $0x0;
	lr =	simm.s32 $0x1  }
0x2: {  	[smem:$0x3F8E] =	sst lr;
	_ =	strace $0xD0000000  }
0x3: {  	_ = 	snop  }
0x4: {  	_ = 	snop  }
0x5: {  	_ = 	snop  }
0x6: {  	_ = 	snop  }
0x7: {  	_ = 	snop  }
__scs_overlays_trampoline_lowered:
0x8: {  	[smem:$0x3F9D] =	sst s0  }
0x9: {  	[smem:$0x3F9E] =	sst s1  }
0xa: {  	[smem:$0x3F9F] =	sst s2  }
0xb: {  	[smem:$0x3FA0] =	sst s3  }
0xc: {  	[smem:$0x3FA1] =	sst s4  }
0xd: {  	[smem:$0x3FA2] =	sst s5  }
0xe: {  	[smem:$0x3FA3] =	sst s6  }
0xf: {  	[smem:$0x3FA4] =	sst s7  }
0x10: {  	[smem:$0x3FA5] =	sst s8  }
0x11: {  	[smem:$0x3FA6] =	sst s9;
	s0 =	simm.s32 @!p0 $0x0  }
0x12: {  	s1 =	sld [smem:$0x3F8C];
	s0 =	simm.s32 @p0 $0x1  }
0x13: {  	[smem:$0x3FA7] =	sst s0;
	s0 =	simm.s32 @!p1 $0x0  }
0x14: {  	s2 =	sld [smem:$0x3F8B];
	s0 =	simm.s32 @p1 $0x1  }
0x15: {  	[smem:$0x3FA8] =	sst s0;
	s0 =	simm.s32 @!p2 $0x0  }
0x16: {  	s3 =	sld [smem:$0x3FDB];
	s0 =	simm.s32 @p2 $0x1  }
0x17: {  	s4 =	simm.s32 $0x1BF5;
	[smem:$0x3FAA] =	sst s0  }
0x18: {  	s0 =	sld [smem:$0x3F8D];
	_ =	swait.ge [sflag:s4], $0x0  }
0x19: {  	s7 =	sld [smem:$0x3F8E]  }
0x1a: {  	s8 =	sadd.s32 $0xFFFFE003, lr  }
0x1b: {  	s9 =	sadd.s32 $0xFFFFFEF7, lr;
	s5 =	simm.s32 $0xFFFFFFFF;
	p2 =	slt.u32 s8, $0xFFFFF086  }
0x1c: {  	p1 =	slt.u32 s9, $0xF7A;
	s5 =	simm.s32 @!p2 $0x0  }
0x1d: {  	s5 =	simm.s32 @p1 $0x1;
	p0 =	seq.s32 s7, s2  }
0x1e: {  	s7 =	smul.u32 @!p0 $0xF7A, s2;
	p2 =	seq.s32 @!p0 s5, $0x0  }
0x1f: {  	s9 =	smul.u32 $0xF7A, s1;
	s8 =	simm.s32 @!p0 $0x1BF5;
	p2 =	por !p2, p0  }
0x20: {  	[sflag:s8] =	ssyncset.s32 @!p0 $0xFFFFF086;
	s6 =	sadd.s32 @!p0 s3, s7;
	s7 =	simm.s32 @!p0 $0x108  }
0x21: {  	s3 =	sadd.s32 s3, s9;
	s6 =	sadd.s32 @!p0 $0x88, s6;
	s7 =	simm.s32 @p2 $0x1082  }
0x22: {  	[simem:s7], [sflag:s8] =	dma.local @!p0 [hbm:s6], $0xF7A  }
0x23: {  	s9 =	sor.u32 $0xD0000000, s2;
	s6 =	simm.s32 $0x108;
	_ =	swait.ge @!p0 [sflag:s8], $0x0  }
0x24: {  	s3 =	sadd.s32 $0x88, s3;
	s6 =	simm.s32 @!p1 $0x1082;
	[sflag:s4] =	ssyncset.s32 $0xFFFFF086  }
0x25: {  	[simem:s6], [sflag:s4] =	dma.local [hbm:s3], $0xF7A  }
0x26: {  	[smem:$0x3F8E] =	sst s1;
	(tag) =	ssettag s2;
	_ =	strace s9  }
0x27: {  	s1 =	sld [smem:$0x3F9E]  }
0x28: {  	s2 =	sld [smem:$0x3F9F]  }
0x29: {  	s4 =	sld [smem:$0x3FA1]  }
0x2a: {  	p0 =	seq.s32 s5, $0x0;
	s5 =	sld [smem:$0x3FA2]  }
0x2b: {  	s6 =	sld [smem:$0x3FA3]  }
0x2c: {  	s7 =	sld [smem:$0x3FA4]  }
0x2d: {  	s3 =	simm.s32 $0x108;
	s8 =	sld [smem:$0x3FA5]  }
0x2e: {  	s3 =	simm.s32 @!p0 $0x1082;
	s9 =	sld [smem:$0x3FA6]  }
0x2f: {  	lr =	sadd.s32 s0, s3;
	s0 =	sld [smem:$0x3F9D]  }
0x30: {  	s3 =	sld [smem:$0x3FA0]  }
0x31: {  	[smem:$0x3FA9] =	sst s10  }
0x32: {  	s10 =	sld [smem:$0x3FA7];
	_ =	sdelay $0x3  }
0x33: {  	p0 =	seq.s32 s10, $0x1;
	s10 =	sld [smem:$0x3FA9];
	_ =	sdelay $0x3  }
0x34: {  	[smem:$0x3FA9] =	sst s10  }
0x35: {  	s10 =	sld [smem:$0x3FA8];
	_ =	sdelay $0x3  }
0x36: {  	p1 =	seq.s32 s10, $0x1;
	s10 =	sld [smem:$0x3FA9];
	_ =	sdelay $0x3  }
0x37: {  	[smem:$0x3FA9] =	sst s10  }
0x38: {  	s10 =	sld [smem:$0x3FAA]  }
0x39: {  	_ = 	snop;
	(pc) =	sbr.ind lr, $3  }
0x3a: {  	_ = 	snop  }
0x3b: {  	_ = 	snop  }
0x3c: {  	p2 =	seq.s32 s10, $0x1;
	s10 =	sld [smem:$0x3FA9]  }
0x3d: {  	_ =	shalt  }
0x3e: {  	_ =	shalt  }
0x3f: {  	_ =	shalt  }
0x40: {  	_ =	shalt  }
0x41: {  	_ =	shalt  }
0x42: {  	_ =	shalt  }
0x43: {  	_ =	shalt  }
0x44: {  	_ =	shalt  }
0x45: {  	_ =	shalt  }
0x46: {  	_ =	shalt  }
0x47: {  	_ =	shalt  }
0x48: {  	_ =	shalt  }
0x49: {  	_ =	shalt  }
0x4a: {  	_ =	shalt  }
0x4b: {  	_ =	shalt  }
0x4c: {  	_ =	shalt  }
0x4d: {  	_ =	shalt  }
0x4e: {  	_ =	shalt  }
0x4f: {  	_ =	shalt  }
0x50: {  	_ =	shalt  }
0x51: {  	_ =	shalt  }
0x52: {  	_ =	shalt  }
0x53: {  	_ =	shalt  }
0x54: {  	_ =	shalt  }
0x55: {  	_ =	shalt  }
0x56: {  	_ =	shalt  }
0x57: {  	_ =	shalt  }
0x58: {  	_ =	shalt  }
0x59: {  	_ =	shalt  }
0x5a: {  	_ =	shalt  }
0x5b: {  	_ =	shalt  }
0x5c: {  	_ =	shalt  }
0x5d: {  	_ =	shalt  }
0x5e: {  	_ =	shalt  }
0x5f: {  	_ =	shalt  }
0x60: {  	_ =	shalt  }
0x61: {  	_ =	shalt  }
0x62: {  	_ =	shalt  }
0x63: {  	_ =	shalt  }
0x64: {  	_ =	shalt  }
0x65: {  	_ =	shalt  }
0x66: {  	_ =	shalt  }
0x67: {  	_ =	shalt  }
0x68: {  	_ =	shalt  }
0x69: {  	_ =	shalt  }
0x6a: {  	_ =	shalt  }
0x6b: {  	_ =	shalt  }
0x6c: {  	_ =	shalt  }
0x6d: {  	_ =	shalt  }
0x6e: {  	_ =	shalt  }
0x6f: {  	_ =	shalt  }
0x70: {  	_ =	shalt  }
0x71: {  	_ =	shalt  }
0x72: {  	_ =	shalt  }
0x73: {  	_ =	shalt  }
0x74: {  	_ =	shalt  }
0x75: {  	_ =	shalt  }
0x76: {  	_ =	shalt  }
0x77: {  	_ =	shalt  }
0x78: {  	_ =	shalt  }
0x79: {  	_ =	shalt  }
0x7a: {  	_ =	shalt  }
0x7b: {  	_ =	shalt  }
0x7c: {  	_ =	shalt  }
0x7d: {  	_ =	shalt  }
0x7e: {  	_ =	shalt  }
0x7f: {  	_ =	shalt  }
0x80: {  	_ =	shalt  }
0x81: {  	_ =	shalt  }
0x82: {  	_ =	shalt  }
0x83: {  	_ =	shalt  }
0x84: {  	_ =	shalt  }
0x85: {  	_ =	shalt  }
0x86: {  	_ =	shalt  }
0x87: {  	_ =	shalt  }
.Lfunc_end0:
.L_simem_size_0:
called_computation_lowered:
.L_overlay_start_0:
0x88: {  	s2 =	sld [smem:$0x3FD9]  }
0x89: {  	s3 =	sld [smem:$0x3FFE];
	_ =	sdelay $0x1  }
0x8a: {  	s1 =	srdreg.scid  }
0x8b: {  	s0 =	sand.u32 $0x1, s1  }
0x8c: {  	s17 =	sshll.u32 s0, $0xA;
	s2 =	sadd.s32 s3, s2  }
0x8d: {  	s2 =	sadd.s32 s2, s17  }
0x8e: {  	[smem:$0x3FB5] =	sst s2  }
0x8f: {  	_ = 	snop  }
0x90: {  	s2 =	sld [smem:$0x3FC7];
	(tm) =	ssettm $0x1  }
0x91: {  	s18 =	sld [smem:$0x3FFB];
	_ =	sdelay $0x3  }
0x92: {  	_ =	strace s18  }
0x93: {  	s3 =	sld [smem:$0x3FFC];
	_ =	sdelay $0x3  }
0x94: {  	_ =	strace s3  }
0x95: {  	s3 =	sld [smem:$0x3FFD];
	_ =	sdelay $0x3  }
0x96: {  	_ =	strace s3  }
0x97: {  	_ =	strace $0x8FFFFFFF  }
0x98: {  	s19 =	sld [smem:$0x3FDB];
	_ =	sdelay $0x1  }
0x99: {  	s4 =	simm.s32 $_scs_section_size  }
0x9a: {  	s5 =	simm.s32 $_size__tile_overlayer_lowered;
	s6 =	simm.s32 $_tile_overlayer_lowered  }
0x9b: {  	s22 =	simm.s32 $0x1BFF;
	s21 =	sshll.u32 s6, $0x1;
	s3 =	sadd.s32 s4, s19  }
0x9c: {  	s7 =	simm.s32 $0x0;
	s20 =	sshll.u32 s5, $0x1;
	s5 =	sadd.s32 s21, s3  }
0x9d: {  	[timem:s7], [sflag:s22] =	dma.local [hbm:s5], s20  }
0x9e: {  	_ =	swait.ge [sflag:s22], s20  }
0x9f: {  	s4 =	ssub.s32 $0x0, s20;
	[sflag:s22] =	ssyncset.done $0x0  }
0xa0: {  	[sflag:s22] =	ssyncadd.s32 s4;
	_ =	sdelay $0x1  }
0xa1: {  	s23 =	simm.s32 $0x1B8B  }
0xa2: {  	_ =	swait.ge [sflag:s23], $0x1  }
0xa3: {  	[sflag:s23] =	ssyncset.done $0x0  }
0xa4: {  	s25 =	simm.s32 $0x1B8E;
	s24 =	sld [smem:$0x3FFE];
	[sflag:s23] =	ssyncadd.s32 $0xFFFFFFFF  }
0xa5: {  	s26 =	simm.s32 $execute0_lowered;
	[smem:$0x3FD2] =	sst s25  }
0xa6: {  	s5 =	sshll.u32 s26, $0x1;
	_ =	strace $0x80000046;
	[dreg:$0x1] =	wrdreg $0xFFFFFFFF  }
0xa7: {  	s28 =	simm.s32 $_size_execute0_lowered;
	s3 =	sadd.s32 s3, s5;
	[dreg:$0x0] =	wrdreg $0x0  }
0xa8: {  	s5 =	sshll.u32 s28, $0x1;
	[dreg:$0x2] =	wrdreg s3  }
0xa9: {  	[dreg:$0x3] =	wrdreg s5  }
0xaa: {  	[dreg:$0x4] =	wrdreg $0xC0  }
0xab: {  	_ =	task [dreg:s7], $0x5FFFF  }
0xac: {  	[dreg:$0x1] =	wrdreg $0xFFFFFFFF  }
0xad: {  	[dreg:$0x0] =	wrdreg $0x60  }
0xae: {  	[dreg:$0x2] =	wrdreg s2  }
0xaf: {  	[dreg:$0x3] =	wrdreg s24  }
0xb0: {  	[dreg:$0x4] =	wrdreg $0x9  }
0xb1: {  	_ =	task.clear_ibuf [dreg:s7], $0x5FFFF;
	_ =	strace $0x90000046  }
0xb2: {  	s29 =	simm.s32 $0x9;
	_ =	strace $0x80000048  }
0xb3: {  	_ =	swait.ge [sflag:s29], $0x1  }
0xb4: {  	[sflag:s29] =	ssyncadd.s32 $0xFFFFFFFF  }
0xb5: {  	_ =	strace $0x90000048  }
0xb6: {  	_ =	sfence  }
0xb7: {  	s30 =	sld [smem:$0x0];
	_ =	sdelay $0x2  }
0xb8: {  	s31 =	sshll.u32 s1, $0xD;
	s1 =	sshrl.u32 s1, $0x2  }
0xb9: {  	s3 =	sand.u32 $0x4000, s31;
	s1 =	sadd.s32 s1, s30  }
0xba: {  	s0 =	sor.u32 s3, s0;
	s1 =	sshll.u32 s1, $0x11  }
0xbb: {  	s0 =	sor.u32 s1, s0  }
0xbc: {  	s0 =	sadd.s32 $0x8F2B, s0  }
0xbd: {  	[sflag:s0] =	ssyncadd.remote.s32 $0x1  }
0xbe: {  	_ =	sfence.sel $0xFFFF  }
0xbf: {  	[dreg:$0x0] =	wrdreg $0xFFFFFFFF;
	(pc) =	sbr.abs _section_cstart, $3  }
0xc0: {  	[dreg:$0x1] =	wrdreg $0xFFFFFFFF  }
0xc1: {  	_ =	task.clear_ibuf [dreg:s7], $0x2FFFF;
	_ =	strace $0x9FFFFFFF  }
0xc2: {  	(tm) =	ssettm $0x7FFFFFFF  }
0xc3: {  	_ =	shalt  }
tec
execute0_lowered:
.L_overlay_start_1:
0x0: {  	(tag) =	ssettag $0x1  }
0x1: {  	s1 =	srdreg.scid;
	s0 =	stileid.u32  }
0x2: {  	s2 =	rddreg [dreg:$0x0];
	s29 =	sand.u32 $0x1, s1;
	s31 =	sshll.u32 s0, $0x1  }
0x3: {  	s28 =	rddreg [dreg:$0x1];
	s30 =	sor.u32 s29, s31  }
0x4: {  	s3 =	simm.s32 $0x0;
	s1 =	rddreg [dreg:$0x2];
	s4 =	sshll.u32 s30, $0x8  }
0x5: {  	[smem:$0x7FF] =	sst s3;
	s4 =	sadd.s32 s4, s28  }
0x6: {  	_ =	strace $0x80000047;
	s5 =	sadd.s32 $0x600, s4;
	s4 =	simm.s32 $0x2  }
0x7: {  	[tilespmem:s3], [sflag:$0x2] =	stream.linear.gather [hbm4b:s5+s3], $0x500, $0x38;
	[tilespmem:$0x19800] =	vst v63  }
0x8: {  	_ =	swait.ge [sflag:s4], $0x500  }
0x9: {  	[sflag:s4] =	ssyncset.done $0x0  }
0xa: {  	s6 =	simm.s32 $0x50;
	s7 =	simm.s32 $0x800;
	[sflag:s4] =	ssyncadd.s32 $0xFFFFFB00  }
0xb: {  	[tilespmem:s7], [sflag:$0x1] =	stream.indirect.gather [hbm4b:s2+s6], $0x80, s3, s6, $0xb8;
	[tilespmem:$0x19800] =	vst v63  }
0xc: {  	s8 =	simm.s32 $0x80;
	s9 =	simm.s32 $0x3000  }
0xd: {  	[tilespmem:s9], [sflag:$0x1] =	stream.indirect.gather [hbm4b:s2+s6], $0x80, s8, s6, $0xb8;
	[tilespmem:$0x19800] =	vst v63  }
0xe: {  	s10 =	simm.s32 $0x100;
	s11 =	simm.s32 $0x5800  }
0xf: {  	[tilespmem:s11], [sflag:$0x1] =	stream.indirect.gather [hbm4b:s2+s6], $0x80, s10, s6, $0xb8;
	[tilespmem:$0x19800] =	vst v63  }
0x10: {  	s12 =	simm.s32 $0x180;
	s13 =	simm.s32 $0x8000  }
0x11: {  	[tilespmem:s13], [sflag:$0x1] =	stream.indirect.gather [hbm4b:s2+s6], $0x80, s12, s6, $0xb8;
	[tilespmem:$0x19800] =	vst v63  }
0x12: {  	s14 =	simm.s32 $0x200;
	s15 =	simm.s32 $0xA800  }
0x13: {  	[tilespmem:s15], [sflag:$0x1] =	stream.indirect.gather [hbm4b:s2+s6], $0x80, s14, s6, $0xb8;
	[tilespmem:$0x19800] =	vst v63  }
0x14: {  	s16 =	simm.s32 $0x280;
	s17 =	simm.s32 $0xD000  }
0x15: {  	[tilespmem:s17], [sflag:$0x1] =	stream.indirect.gather [hbm4b:s2+s6], $0x80, s16, s6, $0xb8;
	[tilespmem:$0x19800] =	vst v63  }
0x16: {  	s18 =	simm.s32 $0x300;
	s19 =	simm.s32 $0xF800  }
0x17: {  	[tilespmem:s19], [sflag:$0x1] =	stream.indirect.gather [hbm4b:s2+s6], $0x80, s18, s6, $0xb8;
	[tilespmem:$0x19800] =	vst v63  }
0x18: {  	s20 =	simm.s32 $0x380;
	s21 =	simm.s32 $0x12000  }
0x19: {  	[tilespmem:s21], [sflag:$0x1] =	stream.indirect.gather [hbm4b:s2+s6], $0x80, s20, s6, $0xb8;
	[tilespmem:$0x19800] =	vst v63  }
0x1a: {  	s22 =	simm.s32 $0x400;
	s23 =	simm.s32 $0x14800  }
0x1b: {  	[tilespmem:s23], [sflag:$0x1] =	stream.indirect.gather [hbm4b:s2+s6], $0x80, s22, s6, $0xb8;
	[tilespmem:$0x19800] =	vst v63  }
0x1c: {  	s24 =	simm.s32 $0x480;
	s25 =	simm.s32 $0x17000;
	s26 =	simm.s32 $0x1  }
0x1d: {  	[tilespmem:s25], [sflag:$0x1] =	stream.indirect.gather [hbm4b:s2+s6], $0x80, s24, s6, $0xb8;
	[tilespmem:$0x19800] =	vst v63  }
0x1e: {  	_ =	swait.ge [sflag:s26], $0x2800  }
0x1f: {  	[sflag:s26] =	ssyncset.done $0x0  }
0x20: {  	[sflag:s26] =	ssyncadd.s32 $0xFFFFD800  }
0x21: {  	_ =	swait.ge [sflag:s26], $0x2800  }
0x22: {  	[sflag:s26] =	ssyncset.done $0x0  }
0x23: {  	[sflag:s26] =	ssyncadd.s32 $0xFFFFD800  }
0x24: {  	_ =	swait.ge [sflag:s26], $0x2800  }
0x25: {  	[sflag:s26] =	ssyncset.done $0x0  }
0x26: {  	[sflag:s26] =	ssyncadd.s32 $0xFFFFD800  }
0x27: {  	_ =	swait.ge [sflag:s26], $0x2800  }
0x28: {  	[sflag:s26] =	ssyncset.done $0x0  }
0x29: {  	[sflag:s26] =	ssyncadd.s32 $0xFFFFD800  }
0x2a: {  	_ =	swait.ge [sflag:s26], $0x2800  }
0x2b: {  	[sflag:s26] =	ssyncset.done $0x0  }
0x2c: {  	[sflag:s26] =	ssyncadd.s32 $0xFFFFD800  }
0x2d: {  	_ =	swait.ge [sflag:s26], $0x2800  }
0x2e: {  	[sflag:s26] =	ssyncset.done $0x0  }
0x2f: {  	[sflag:s26] =	ssyncadd.s32 $0xFFFFD800  }
0x30: {  	_ =	swait.ge [sflag:s26], $0x2800  }
0x31: {  	[sflag:s26] =	ssyncset.done $0x0  }
0x32: {  	[sflag:s26] =	ssyncadd.s32 $0xFFFFD800  }
0x33: {  	_ =	swait.ge [sflag:s26], $0x2800  }
0x34: {  	[sflag:s26] =	ssyncset.done $0x0  }
0x35: {  	s29 =	ssub.s32 $0x2, s29;
	[sflag:s26] =	ssyncadd.s32 $0xFFFFD800  }
0x36: {  	s31 =	sshrl.u32 s29, $0x1;
	_ =	swait.ge [sflag:s26], $0x2800  }
0x37: {  	s29 =	ssub.s32 s29, s31;
	[sflag:s26] =	ssyncset.done $0x0  }
0x38: {  	s30 =	smul.u32 $0x3200, s30;
	s29 =	smax.u32 s29, $0x1;
	[sflag:s26] =	ssyncadd.s32 $0xFFFFD800  }
0x39: {  	p0 =	sne.s32 s29, $0x1;
	_ =	swait.ge [sflag:s26], $0x2800  }
.Ltmp0:
0x3a: {  	s28 =	sadd.s32 s30, s28;
	[sflag:s26] =	ssyncset.done $0x0;
	(pc) =	sbr.rel @!p0 .LBB2_2-.Ltmp0, $4  }
0x3b: {  	s28 =	sadd.s32 $0x2600, s28;
	[sflag:s26] =	ssyncadd.s32 $0xFFFFD800  }
0x3c: {  	[hbm4b:s28+s3] =	stream.linear.scatter [tilespmem:s7], [sflag:$0x2], $0x19000, $0x38;
	[tilespmem:$0x19800] =	vst v63  }
0x3d: {  	_ =	swait.ge [sflag:s4], $0x19000  }
0x3e: {  	s29 =	sadd.s32 $0xFFFFFFFF, s29;
	[sflag:s4] =	ssyncset.done $0x0  }
.LBB2_1:
0x3f: {  	p0 =	sne.s32 s29, $0x1;
	s29 =	sadd.s32 $0xFFFFFFFF, s29;
	[sflag:s4] =	ssyncadd.s32 $0xFFFE7000  }
0x40: {  	[tilespmem:s3], [sflag:$0x2] =	stream.linear.gather [hbm4b:s5+s3], $0x500, $0x38;
	[tilespmem:$0x19800] =	vst v63  }
0x41: {  	_ =	swait.ge [sflag:s4], $0x500  }
0x42: {  	[sflag:s4] =	ssyncset.done $0x0  }
0x43: {  	[sflag:s4] =	ssyncadd.s32 $0xFFFFFB00  }
0x44: {  	[tilespmem:s7], [sflag:$0x1] =	stream.indirect.gather [hbm4b:s2+s6], $0x80, s3, s6, $0xb8;
	[tilespmem:$0x19800] =	vst v63  }
0x45: {  	_ = 	snop  }
0x46: {  	[tilespmem:s9], [sflag:$0x1] =	stream.indirect.gather [hbm4b:s2+s6], $0x80, s8, s6, $0xb8;
	[tilespmem:$0x19800] =	vst v63  }
0x47: {  	_ = 	snop  }
0x48: {  	[tilespmem:s11], [sflag:$0x1] =	stream.indirect.gather [hbm4b:s2+s6], $0x80, s10, s6, $0xb8;
	[tilespmem:$0x19800] =	vst v63  }
0x49: {  	_ = 	snop  }
0x4a: {  	[tilespmem:s13], [sflag:$0x1] =	stream.indirect.gather [hbm4b:s2+s6], $0x80, s12, s6, $0xb8;
	[tilespmem:$0x19800] =	vst v63  }
0x4b: {  	_ = 	snop  }
0x4c: {  	[tilespmem:s15], [sflag:$0x1] =	stream.indirect.gather [hbm4b:s2+s6], $0x80, s14, s6, $0xb8;
	[tilespmem:$0x19800] =	vst v63  }
0x4d: {  	_ = 	snop  }
0x4e: {  	[tilespmem:s17], [sflag:$0x1] =	stream.indirect.gather [hbm4b:s2+s6], $0x80, s16, s6, $0xb8;
	[tilespmem:$0x19800] =	vst v63  }
0x4f: {  	_ = 	snop  }
0x50: {  	[tilespmem:s19], [sflag:$0x1] =	stream.indirect.gather [hbm4b:s2+s6], $0x80, s18, s6, $0xb8;
	[tilespmem:$0x19800] =	vst v63  }
0x51: {  	_ = 	snop  }
0x52: {  	[tilespmem:s21], [sflag:$0x1] =	stream.indirect.gather [hbm4b:s2+s6], $0x80, s20, s6, $0xb8;
	[tilespmem:$0x19800] =	vst v63  }
0x53: {  	_ = 	snop  }
0x54: {  	[tilespmem:s23], [sflag:$0x1] =	stream.indirect.gather [hbm4b:s2+s6], $0x80, s22, s6, $0xb8;
	[tilespmem:$0x19800] =	vst v63  }
0x55: {  	_ = 	snop  }
0x56: {  	[tilespmem:s25], [sflag:$0x1] =	stream.indirect.gather [hbm4b:s2+s6], $0x80, s24, s6, $0xb8;
	[tilespmem:$0x19800] =	vst v63  }
0x57: {  	_ =	swait.ge [sflag:s26], $0x2800  }
0x58: {  	[sflag:s26] =	ssyncset.done $0x0  }
0x59: {  	[sflag:s26] =	ssyncadd.s32 $0xFFFFD800  }
0x5a: {  	_ =	swait.ge [sflag:s26], $0x2800  }
0x5b: {  	[sflag:s26] =	ssyncset.done $0x0  }
0x5c: {  	[sflag:s26] =	ssyncadd.s32 $0xFFFFD800  }
0x5d: {  	_ =	swait.ge [sflag:s26], $0x2800  }
0x5e: {  	[sflag:s26] =	ssyncset.done $0x0  }
0x5f: {  	[sflag:s26] =	ssyncadd.s32 $0xFFFFD800  }
0x60: {  	_ =	swait.ge [sflag:s26], $0x2800  }
0x61: {  	[sflag:s26] =	ssyncset.done $0x0  }
0x62: {  	[sflag:s26] =	ssyncadd.s32 $0xFFFFD800  }
0x63: {  	_ =	swait.ge [sflag:s26], $0x2800  }
0x64: {  	[sflag:s26] =	ssyncset.done $0x0  }
0x65: {  	[sflag:s26] =	ssyncadd.s32 $0xFFFFD800  }
0x66: {  	_ =	swait.ge [sflag:s26], $0x2800  }
0x67: {  	[sflag:s26] =	ssyncset.done $0x0  }
0x68: {  	[sflag:s26] =	ssyncadd.s32 $0xFFFFD800  }
0x69: {  	_ =	swait.ge [sflag:s26], $0x2800  }
0x6a: {  	[sflag:s26] =	ssyncset.done $0x0  }
0x6b: {  	[sflag:s26] =	ssyncadd.s32 $0xFFFFD800  }
0x6c: {  	_ =	swait.ge [sflag:s26], $0x2800  }
0x6d: {  	[sflag:s26] =	ssyncset.done $0x0  }
0x6e: {  	[sflag:s26] =	ssyncadd.s32 $0xFFFFD800  }
0x6f: {  	_ =	swait.ge [sflag:s26], $0x2800  }
0x70: {  	[sflag:s26] =	ssyncset.done $0x0  }
0x71: {  	[sflag:s26] =	ssyncadd.s32 $0xFFFFD800  }
0x72: {  	_ =	swait.ge [sflag:s26], $0x2800  }
.Ltmp1:
0x73: {  	[sflag:s26] =	ssyncset.done $0x0;
	(pc) =	sbr.rel @p0 .LBB2_1-.Ltmp1, $4  }
0x74: {  	[sflag:s26] =	ssyncadd.s32 $0xFFFFD800  }
0x75: {  	[hbm4b:s28+s3] =	stream.linear.scatter [tilespmem:s7], [sflag:$0x2], $0x19000, $0x38;
	[tilespmem:$0x19800] =	vst v63  }
0x76: {  	_ =	swait.ge [sflag:s4], $0x19000  }
0x77: {  	[sflag:s4] =	ssyncset.done $0x0  }
.LBB2_2:
0x78: {  	[sflag:s4] =	ssyncadd.s32 $0xFFFE7000  }
0x79: {  	_ =	sfence.sel $0x180000  }
0x7a: {  	[bflag:$0x0] =	sbarrier.arrive $0xFFFF  }
0x7b: {  	p0 =	sne.s32 s0, $0x0;
	_ =	strace $0x90000047  }
0x7c: {  	s0 =	sadd.s32 @!p0 $0x100000, s1;
	[bflag:$0x2] =	sbarrier.arrive $0xFFFF  }
0x7d: {  	[sflag:s0] =	ssyncadd.tile.s32 @!p0 $0x1;
	_ =	shalt  }
.Lfunc_end2:
_tile_overlayer_lowered:
.L_overlay_start_2:
0x7e: {  	(tag) =	ssettag $0x2  }
0x7f: {  	s0 =	rddreg [dreg:$0x0];
	s2 =	stileid.u32  }
0x80: {  	s1 =	rddreg [dreg:$0x1];
	p0 =	sne.s32 s2, $0x0  }
0x81: {  	s3 =	rddreg [dreg:$0x2];
	[bflag:$0x3] =	sbarrier.arrive $0xFFFF;
	s2 =	simm.s32 @!p0 $0x1C02  }
0x82: {  	[timem:s3], [sflag:s2] =	dma.local @!p0 [hbm:s0], s1  }
0x83: {  	s0 =	simm.s32 @!p0 $0x2  }
0x84: {  	_ =	swait.ge @!p0 [sflag:s0], s1  }
0x85: {  	s1 =	ssub.s32 @!p0 $0x0, s1;
	[sflag:s0] =	ssyncset.done @!p0 $0x0  }
0x86: {  	[sflag:s0] =	ssyncadd.s32 @!p0 s1  }
0x87: {  	[bflag:$0x3] =	sbarrier.arrive $0xFFFF  }
0x88: {  	_ =	shalt  }

</sc_bundles>
